<compile_context>
chip_gen: v7x
topology: tpu7x:2x2x1
jax: 0.10.2.dev20260603
libtpu: 0.0.44.dev20260713+nightly
codegen_flags: <defaults>
</compile_context>

<pallas_src>
import functools

import jax
import jax.numpy as jnp
from jax import lax
from jax.experimental import pallas as pl
from jax.experimental.pallas import tpu as pltpu
from jax.experimental.pallas import tpu_sc as plsc

N = 10000
NP = 10240
E = 320000
D = 128
H = 128
G = 64

NC = 2
NS = 16
NT = NC * NS
EPT = E // NT
K = 80
NCHUNK = EPT // K
RPS = NP // NS
DW = 16

_mesh = plsc.VectorSubcoreMesh(core_axis_name="c", subcore_axis_name="s")



@functools.partial(
    pl.kernel,
    out_type=jax.ShapeDtypeStruct((NT, NP), jnp.float32),
    mesh=_mesh,
    compiler_params=pltpu.CompilerParams(needs_layout_passes=False,
                                         skip_device_barrier=True),
    scratch_types=[
        pltpu.VMEM((NP,), jnp.float32),
        pltpu.VMEM((EPT,), jnp.int32),
    ],
)
def _sc_degree(dst_hbm, out_hbm, hist, didx):
    c = lax.axis_index("c")
    s = lax.axis_index("s")
    wid = c * NS + s

    def zbody(i, carry):
        hist[pl.ds(i * 16, 16)] = jnp.zeros((16,), jnp.float32)
        return carry

    lax.fori_loop(0, NP // 16, zbody, 0)
    pltpu.sync_copy(dst_hbm.at[pl.ds(wid * EPT, EPT)], didx)
    ones16 = jnp.ones((16,), jnp.float32)

    def body(i, carry):
        idx16 = didx[pl.ds(i * 16, 16)]
        plsc.addupdate_scatter(hist, [idx16], ones16)
        return carry

    lax.fori_loop(0, EPT // 16, body, 0)
    pltpu.sync_copy(hist, out_hbm.at[wid])


@functools.partial(
    pl.kernel,
    out_type=jax.ShapeDtypeStruct((NC, NP, H), jnp.float32),
    mesh=_mesh,
    compiler_params=pltpu.CompilerParams(skip_device_barrier=True),
    scratch_types=[
        pltpu.VMEM_SHARED((NP, H), jnp.float32),
        pltpu.VMEM((EPT,), jnp.int32),
        pltpu.VMEM((NCHUNK, K), jnp.int32),
        pltpu.VMEM((K, H), jnp.float32),
        pltpu.VMEM((K, H), jnp.float32),
        pltpu.SemaphoreType.DMA,
        pltpu.SemaphoreType.DMA,
        pltpu.SemaphoreType.DMA,
    ],
)
def _sc_scatter(g_hbm, src_hbm, dst_hbm, out_hbm, acc_sh, sidx, didx,
                rows_a, rows_b, sem_a, sem_b, sem_p):
    c = lax.axis_index("c")
    s = lax.axis_index("s")
    wid = c * NS + s
    init_desc = pltpu.async_copy(g_hbm.at[pl.ds(s * RPS, RPS)],
                                 acc_sh.at[pl.ds(s * RPS, RPS)], sem_p)
    pltpu.async_copy(src_hbm.at[pl.ds(wid * EPT, EPT)], sidx, sem_a)
    pltpu.async_copy(dst_hbm.at[wid], didx, sem_b)
    init_desc.wait()
    pltpu.make_async_copy(src_hbm.at[pl.ds(wid * EPT, EPT)], sidx,
                          sem_a).wait()
    pltpu.make_async_copy(dst_hbm.at[wid], didx, sem_b).wait()
    plsc.subcore_barrier()

    def gather(ch, rows, sem):
        return pltpu.async_copy(g_hbm.at[sidx.at[pl.ds(ch * K, K)]], rows, sem)

    def gather_wait(ch, rows, sem):
        pltpu.make_async_copy(g_hbm.at[sidx.at[pl.ds(ch * K, K)]], rows,
                              sem).wait()

    def scat(ch, rows):
        pltpu.sync_copy(rows, acc_sh.at[didx.at[ch]], add=True)

    gather(0, rows_a, sem_a)

    def body(i, carry):
        a = 2 * i
        gather(a + 1, rows_b, sem_b)
        gather_wait(a, rows_a, sem_a)
        scat(a, rows_a)
        gather(a + 2, rows_a, sem_a)
        gather_wait(a + 1, rows_b, sem_b)
        scat(a + 1, rows_b)
        return carry

    lax.fori_loop(0, (NCHUNK - 1) // 2, body, 0)
    gather_wait(NCHUNK - 1, rows_a, sem_a)
    scat(NCHUNK - 1, rows_a)
    plsc.subcore_barrier()
    pltpu.sync_copy(acc_sh.at[pl.ds(s * RPS, RPS)],
                    out_hbm.at[c, pl.ds(s * RPS, RPS)])



BR = 640
NB = NP // BR


def _tc_stage1_body(deg_ref, x_ref, w1_ref, g1_ref, dinv_ref):
    ones_nt = jnp.ones((NT, 1), dtype=jnp.float32)
    deg = lax.dot_general(deg_ref[...], ones_nt, (((0,), (0,)), ((), ())),
                          preferred_element_type=jnp.float32) + 1.0
    dinv = lax.rsqrt(jnp.maximum(deg, 1e-12))
    h = jnp.dot(x_ref[...], w1_ref[...], preferred_element_type=jnp.float32)
    g1_ref[...] = h * dinv
    dinv_ref[...] = dinv


def _tc_stage1(deg, x, W1):
    return pl.pallas_call(
        _tc_stage1_body,
        grid=(NB,),
        in_specs=[
            pl.BlockSpec((NT, BR), lambda i: (0, i)),
            pl.BlockSpec((BR, D), lambda i: (i, 0)),
            pl.BlockSpec((D, H), lambda i: (0, 0)),
        ],
        out_specs=[
            pl.BlockSpec((BR, H), lambda i: (i, 0)),
            pl.BlockSpec((BR, 1), lambda i: (i, 0)),
        ],
        out_shape=[
            jax.ShapeDtypeStruct((NP, H), jnp.float32),
            jax.ShapeDtypeStruct((NP, 1), jnp.float32),
        ],
    )(deg, x, W1)


def _tc_stage2_body(acc_ref, g1_ref, dinv_ref, b1_ref, w2_ref, g2_ref):
    s1 = acc_ref[0] + acc_ref[1] - g1_ref[...]
    h1 = jnp.maximum(dinv_ref[...] * s1 + b1_ref[...], 0.0)
    h = jnp.dot(h1, w2_ref[...], preferred_element_type=jnp.float32)
    g2_ref[...] = h * dinv_ref[...]


def _tc_stage2(acc, g1, dinv, b1, W2):
    return pl.pallas_call(
        _tc_stage2_body,
        grid=(NB,),
        in_specs=[
            pl.BlockSpec((NC, BR, H), lambda i: (0, i, 0)),
            pl.BlockSpec((BR, H), lambda i: (i, 0)),
            pl.BlockSpec((BR, 1), lambda i: (i, 0)),
            pl.BlockSpec((1, H), lambda i: (0, 0)),
            pl.BlockSpec((H, H), lambda i: (0, 0)),
        ],
        out_specs=pl.BlockSpec((BR, H), lambda i: (i, 0)),
        out_shape=jax.ShapeDtypeStruct((NP, H), jnp.float32),
    )(acc, g1, dinv, b1, W2)


def _tc_stage3_body(acc_ref, g2_ref, dinv_ref, b2_ref, batch_ref, wh_ref,
                    bh_ref, out_ref, emb_acc, cnt_acc):
    i = pl.program_id(0)

    @pl.when(i == 0)
    def _():
        emb_acc[...] = jnp.zeros_like(emb_acc)
        cnt_acc[...] = jnp.zeros_like(cnt_acc)

    s2 = acc_ref[0] + acc_ref[1] - g2_ref[...]
    h2 = jnp.maximum(dinv_ref[...] * s2 + b2_ref[...], 0.0)
    seg = jax.lax.broadcasted_iota(jnp.int32, (G, BR), 0)
    p = (seg == batch_ref[0, 0, :][None, :]).astype(jnp.float32)
    emb_acc[...] += jnp.dot(p, h2, preferred_element_type=jnp.float32)
    cnt_acc[...] += jnp.sum(p, axis=1, keepdims=True)

    @pl.when(i == NB - 1)
    def _():
        emb = emb_acc[...] / jnp.maximum(cnt_acc[...], 1.0)
        out_ref[...] = (jnp.dot(emb, wh_ref[...],
                                preferred_element_type=jnp.float32)
                        + bh_ref[...])


def _tc_stage3(acc, g2, dinv, b2, batch_r, Whp, bhp):
    return pl.pallas_call(
        _tc_stage3_body,
        grid=(NB,),
        in_specs=[
            pl.BlockSpec((NC, BR, H), lambda i: (0, i, 0)),
            pl.BlockSpec((BR, H), lambda i: (i, 0)),
            pl.BlockSpec((BR, 1), lambda i: (i, 0)),
            pl.BlockSpec((1, H), lambda i: (0, 0)),
            pl.BlockSpec((1, 1, BR), lambda i: (i, 0, 0)),
            pl.BlockSpec((H, 128), lambda i: (0, 0)),
            pl.BlockSpec((1, 128), lambda i: (0, 0)),
        ],
        out_specs=pl.BlockSpec((G, 128), lambda i: (0, 0)),
        out_shape=jax.ShapeDtypeStruct((G, 128), jnp.float32),
        scratch_shapes=[
            pltpu.VMEM((G, 128), jnp.float32),
            pltpu.VMEM((G, 1), jnp.float32),
        ],
    )(acc, g2, dinv, b2, batch_r, Whp, bhp)



def kernel(x, edge_index, batch, W1, b1, W2, b2, Wh, bh):
    src = edge_index[0]
    dst = edge_index[1]
    x = jnp.pad(x, ((0, NP - N), (0, 0)))

    dst3 = dst.reshape(NT, NCHUNK, K)

    deg = _sc_degree(dst)
    g1, dinv = _tc_stage1(deg, x, W1)
    acc1 = _sc_scatter(g1, src, dst3)
    g2 = _tc_stage2(acc1, g1, dinv, b1.reshape(1, H), W2)
    acc2 = _sc_scatter(g2, src, dst3)

    batch_r = jnp.pad(batch, (0, NP - N), constant_values=G).reshape(NB, 1, BR)
    Whp = jnp.zeros((H, 128), dtype=jnp.float32).at[:, :2].set(Wh)
    bhp = jnp.zeros((1, 128), dtype=jnp.float32).at[0, :2].set(bh)
    out_pad = _tc_stage3(acc2, g2, dinv, b2.reshape(1, H), batch_r, Whp, bhp)
    return out_pad[:, :2]

# --- scband reference (transcript-rebuilt; emitter-appended) ---
"""Pipeline reference for scband-gnnclassifier-37245956391182 (READ-ONLY COPY).

The authoritative reference and input builder live on the scoring server;
editing this copy changes nothing except your own understanding.
"""

import jax, jax.numpy as jnp
import numpy as np

N = 10000
E = 320000
D = 128
H = 128
G = 64  # number of graphs in the batch


def setup_inputs(seed: int = 0) -> dict:
    key = jax.random.key(seed)
    ks = jax.random.split(key, 10)
    x = jax.random.normal(ks[0], (N, D), dtype=jnp.float32)
    edge_index = jax.random.randint(ks[1], (2, E), 0, N, dtype=jnp.int32)
    batch = jnp.sort(jax.random.randint(ks[2], (N,), 0, G, dtype=jnp.int32))
    # GCNConv1: in_dim -> hidden_dim
    W1 = jax.random.normal(ks[3], (D, H), dtype=jnp.float32) * (1.0 / np.sqrt(D))
    b1 = jnp.zeros((H,), dtype=jnp.float32)
    # GCNConv2: hidden_dim -> hidden_dim
    W2 = jax.random.normal(ks[4], (H, H), dtype=jnp.float32) * (1.0 / np.sqrt(H))
    b2 = jnp.zeros((H,), dtype=jnp.float32)
    # head: hidden_dim -> 2 (codebert_fusion=False)
    Wh = jax.random.normal(ks[5], (H, 2), dtype=jnp.float32) * (1.0 / np.sqrt(H))
    bh = jnp.zeros((2,), dtype=jnp.float32)
    return {"x": x, "edge_index": edge_index, "batch": batch,
            "W1": W1, "b1": b1, "W2": W2, "b2": b2, "Wh": Wh, "bh": bh}


def _gcn_conv(x, src, dst, W, b, num_nodes):
    # PyG GCNConv: add self loops, symmetric deg normalization, linear, scatter-add, bias
    loop = jnp.arange(num_nodes, dtype=src.dtype)
    s = jnp.concatenate([src, loop])
    d = jnp.concatenate([dst, loop])
    h = x @ W
    deg = jnp.zeros((num_nodes,), dtype=x.dtype).at[d].add(1.0)
    dinv = jax.lax.rsqrt(jnp.maximum(deg, 1e-12))
    norm = dinv[s] * dinv[d]
    out = jnp.zeros((num_nodes, W.shape[1]), dtype=x.dtype)
    out = out.at[d].add(h[s] * norm[:, None])
    return out + b


def _global_mean_pool(x, batch, num_graphs):
    summed = jax.ops.segment_sum(x, batch, num_segments=num_graphs)
    counts = jax.ops.segment_sum(jnp.ones((x.shape[0],), dtype=x.dtype), batch,
                                 num_segments=num_graphs)
    return summed / jnp.maximum(counts, 1.0)[:, None]


def reference(x, edge_index, batch, W1, b1, W2, b2, Wh, bh):
    num_nodes = x.shape[0]
    src, dst = edge_index[0], edge_index[1]
    h = jax.nn.relu(_gcn_conv(x, src, dst, W1, b1, num_nodes))
    # dropout p=0.0 (eval) -> identity
    h = jax.nn.relu(_gcn_conv(h, src, dst, W2, b2, num_nodes))
    emb = _global_mean_pool(h, batch, G)
    return emb @ Wh + bh

if __name__ == "__main__":
    import jax
    _d = setup_inputs()
    print(jax.jit(kernel)(*tuple(_d.values())))

</pallas_src>

<mosaic_0001>
#map = affine_map<(d0, d1) -> (0, 0)>
#map1 = affine_map<(d0, d1) -> (0)>
#map2 = affine_map<(d0, d1) -> (0, 0, 0)>
module attributes {stable_mosaic.version = 14 : i64} {
  func.func @_sc_scatter(%arg0: i32, %arg1: i32, %arg2: memref<10240x128xf32, #tpu.memory_space<hbm>>, %arg3: memref<320000xi32, #tpu.memory_space<hbm>>, %arg4: memref<32x125x80xi32, #tpu.memory_space<hbm>>, %arg5: memref<2x10240x128xf32, #tpu.memory_space<hbm>>, %arg6: memref<10240x128xf32, #tpu.memory_space<vmem_shared>>, %arg7: memref<10000xi32, #tpu.memory_space<vmem>>, %arg8: memref<125x80xi32, #tpu.memory_space<vmem>>, %arg9: memref<80x128xf32, #tpu.memory_space<vmem>>, %arg10: memref<80x128xf32, #tpu.memory_space<vmem>>, %arg11: memref<!tpu.dma_semaphore, #tpu.memory_space<semaphore_mem>>, %arg12: memref<!tpu.dma_semaphore, #tpu.memory_space<semaphore_mem>>, %arg13: memref<!tpu.dma_semaphore, #tpu.memory_space<semaphore_mem>>) attributes {dimension_semantics = [#tpu.dimension_semantics<core_parallel>, #tpu.dimension_semantics<subcore_parallel>], iteration_bounds = array<i64: 2, 16>, scalar_prefetch = 0 : i64, scratch_operands = 8 : i64, tpu.core_type = #tpu.core_type<sc_vector_subcore>, window_params = [{transform_indices = #map}, {transform_indices = #map1}, {transform_indices = #map2}, {transform_indices = #map2}]} {
    %mul3A = arith.constant 16 : i32
    %mul3A_0 = arith.muli %arg0, %mul3A : i32
    %add3A = arith.addi %mul3A_0, %arg1 : i32
    %mul3A_1 = arith.constant 640 : i32
    %mul3A_2 = arith.muli %arg1, %mul3A_1 : i32
    %mul3A_3 = arith.constant 640 : i32
    %mul3A_4 = arith.muli %arg1, %mul3A_3 : i32
    %dma_start3A = arith.constant 0 : i32
    %dma_start3A_5 = tpu.memref_slice %arg6[%mul3A_4, %dma_start3A] : memref<10240x128xf32, #tpu.memory_space<vmem_shared>> -> memref<640x128xf32, #tpu.memory_space<vmem_shared>>
    %dma_start3A_6 = arith.constant 0 : i32
    %dma_start3A_7 = tpu.memref_slice %arg2[%mul3A_2, %dma_start3A_6] : memref<10240x128xf32, #tpu.memory_space<hbm>> -> memref<640x128xf32, #tpu.memory_space<hbm>>
    tpu.enqueue_dma source(%dma_start3A_7 : memref<640x128xf32, #tpu.memory_space<hbm>>) target(%dma_start3A_5 : memref<640x128xf32, #tpu.memory_space<vmem_shared>>) target_semaphore(%arg13 : memref<!tpu.dma_semaphore, #tpu.memory_space<semaphore_mem>>)
    %mul3A_8 = arith.constant 10000 : i32
    %mul3A_9 = arith.muli %add3A, %mul3A_8 : i32
    %dma_start3A_10 = tpu.memref_slice %arg3[%mul3A_9] : memref<320000xi32, #tpu.memory_space<hbm>> -> memref<10000xi32, #tpu.memory_space<hbm>>
    %dma_start3A_11 = tpu.memref_slice %arg3[%mul3A_9] : memref<320000xi32, #tpu.memory_space<hbm>> -> memref<10000xi32, #tpu.memory_space<hbm>>
    tpu.enqueue_dma source(%dma_start3A_11 : memref<10000xi32, #tpu.memory_space<hbm>>) target(%arg7 : memref<10000xi32, #tpu.memory_space<vmem>>) target_semaphore(%arg11 : memref<!tpu.dma_semaphore, #tpu.memory_space<semaphore_mem>>)
    %dma_start3A_12 = arith.constant 0 : i32
    %dma_start3A_13 = arith.constant 0 : i32
    %dma_start3A_14 = tpu.memref_slice %arg4[%add3A, %dma_start3A_12, %dma_start3A_13] : memref<32x125x80xi32, #tpu.memory_space<hbm>> -> memref<1x125x80xi32, #tpu.memory_space<hbm>>
    %dma_start3A_15 = tpu.memref_squeeze %dma_start3A_14 : memref<1x125x80xi32, #tpu.memory_space<hbm>> -> memref<125x80xi32, #tpu.memory_space<hbm>>
    %dma_start3A_16 = arith.constant 0 : i32
    %dma_start3A_17 = arith.constant 0 : i32
    %dma_start3A_18 = tpu.memref_slice %arg4[%add3A, %dma_start3A_16, %dma_start3A_17] : memref<32x125x80xi32, #tpu.memory_space<hbm>> -> memref<1x125x80xi32, #tpu.memory_space<hbm>>
    %dma_start3A_19 = tpu.memref_squeeze %dma_start3A_18 : memref<1x125x80xi32, #tpu.memory_space<hbm>> -> memref<125x80xi32, #tpu.memory_space<hbm>>
    tpu.enqueue_dma source(%dma_start3A_19 : memref<125x80xi32, #tpu.memory_space<hbm>>) target(%arg8 : memref<125x80xi32, #tpu.memory_space<vmem>>) target_semaphore(%arg12 : memref<!tpu.dma_semaphore, #tpu.memory_space<semaphore_mem>>)
    %dma_wait3A = arith.constant 0 : i32
    %dma_wait3A_20 = tpu.memref_slice %arg6[%mul3A_4, %dma_wait3A] : memref<10240x128xf32, #tpu.memory_space<vmem_shared>> -> memref<640x128xf32, #tpu.memory_space<vmem_shared>>
    %dma_wait3A_21 = arith.constant 0 : i32
    %dma_wait3A_22 = tpu.memref_slice %arg2[%mul3A_2, %dma_wait3A_21] : memref<10240x128xf32, #tpu.memory_space<hbm>> -> memref<640x128xf32, #tpu.memory_space<hbm>>
    tpu.wait_dma2 semaphore(%arg13 : memref<!tpu.dma_semaphore, #tpu.memory_space<semaphore_mem>>) src(%dma_wait3A_22 : memref<640x128xf32, #tpu.memory_space<hbm>>) dst(%dma_wait3A_20 : memref<640x128xf32, #tpu.memory_space<vmem_shared>>)
    %mul3A_23 = arith.constant 10000 : i32
    %mul3A_24 = arith.muli %add3A, %mul3A_23 : i32
    %dma_wait3A_25 = tpu.memref_slice %arg3[%mul3A_24] : memref<320000xi32, #tpu.memory_space<hbm>> -> memref<10000xi32, #tpu.memory_space<hbm>>
    %dma_wait3A_26 = tpu.memref_slice %arg3[%mul3A_24] : memref<320000xi32, #tpu.memory_space<hbm>> -> memref<10000xi32, #tpu.memory_space<hbm>>
    tpu.wait_dma2 semaphore(%arg11 : memref<!tpu.dma_semaphore, #tpu.memory_space<semaphore_mem>>) src(%dma_wait3A_26 : memref<10000xi32, #tpu.memory_space<hbm>>) dst(%arg7 : memref<10000xi32, #tpu.memory_space<vmem>>)
    %dma_wait3A_27 = arith.constant 0 : i32
    %dma_wait3A_28 = arith.constant 0 : i32
    %dma_wait3A_29 = tpu.memref_slice %arg4[%add3A, %dma_wait3A_27, %dma_wait3A_28] : memref<32x125x80xi32, #tpu.memory_space<hbm>> -> memref<1x125x80xi32, #tpu.memory_space<hbm>>
    %dma_wait3A_30 = tpu.memref_squeeze %dma_wait3A_29 : memref<1x125x80xi32, #tpu.memory_space<hbm>> -> memref<125x80xi32, #tpu.memory_space<hbm>>
    %dma_wait3A_31 = arith.constant 0 : i32
    %dma_wait3A_32 = arith.constant 0 : i32
    %dma_wait3A_33 = tpu.memref_slice %arg4[%add3A, %dma_wait3A_31, %dma_wait3A_32] : memref<32x125x80xi32, #tpu.memory_space<hbm>> -> memref<1x125x80xi32, #tpu.memory_space<hbm>>
    %dma_wait3A_34 = tpu.memref_squeeze %dma_wait3A_33 : memref<1x125x80xi32, #tpu.memory_space<hbm>> -> memref<125x80xi32, #tpu.memory_space<hbm>>
    tpu.wait_dma2 semaphore(%arg12 : memref<!tpu.dma_semaphore, #tpu.memory_space<semaphore_mem>>) src(%dma_wait3A_34 : memref<125x80xi32, #tpu.memory_space<hbm>>) dst(%arg8 : memref<125x80xi32, #tpu.memory_space<vmem>>)
    %barrier3A = arith.constant 0 : index
    tpu.barrier barrier_id(%barrier3A)
    %dma_start3A_35 = arith.constant 0 : i32
    %dma_start3A_36 = tpu.memref_slice %arg7[%dma_start3A_35] : memref<10000xi32, #tpu.memory_space<vmem>> -> memref<80xi32, #tpu.memory_space<vmem>>
    %dma_start3A_37 = arith.constant 0 : i32
    %dma_start3A_38 = arith.constant 0 : i32
    %dma_start3A_39 = tpu.memref_slice %arg2[%dma_start3A_37, %dma_start3A_38] : memref<10240x128xf32, #tpu.memory_space<hbm>> -> memref<10240x128xf32, #tpu.memory_space<hbm>>
    tpu.enqueue_indirect_dma source(%dma_start3A_39 : memref<10240x128xf32, #tpu.memory_space<hbm>>) target(%arg9 : memref<80x128xf32, #tpu.memory_space<vmem>>) offsets(%dma_start3A_36 : memref<80xi32, #tpu.memory_space<vmem>>) semaphore(%arg11 : memref<!tpu.dma_semaphore, #tpu.memory_space<semaphore_mem>>)
    %scan3A = arith.constant 0 : i32
    %scan3A_40 = arith.constant 0 : i32
    %scan3A_41 = arith.constant 62 : i32
    %scan3A_42 = arith.addi %scan3A_40, %scan3A_41 : i32
    %scan3A_43 = arith.constant 1 : i32
    scf.for %scan3A_55 = %scan3A_40 to %scan3A_42 step %scan3A_43  : i32 {
      %mul3A_56 = arith.constant 2 : i32
      %mul3A_57 = arith.muli %mul3A_56, %scan3A_55 : i32
      %add3A_58 = arith.constant 1 : i32
      %add3A_59 = arith.addi %mul3A_57, %add3A_58 : i32
      %mul3A_60 = arith.constant 80 : i32
      %mul3A_61 = arith.muli %add3A_59, %mul3A_60 : i32
      %dma_start3A_62 = tpu.memref_slice %arg7[%mul3A_61] : memref<10000xi32, #tpu.memory_space<vmem>> -> memref<80xi32, #tpu.memory_space<vmem>>
      %dma_start3A_63 = arith.constant 0 : i32
      %dma_start3A_64 = arith.constant 0 : i32
      %dma_start3A_65 = tpu.memref_slice %arg2[%dma_start3A_63, %dma_start3A_64] : memref<10240x128xf32, #tpu.memory_space<hbm>> -> memref<10240x128xf32, #tpu.memory_space<hbm>>
      tpu.enqueue_indirect_dma source(%dma_start3A_65 : memref<10240x128xf32, #tpu.memory_space<hbm>>) target(%arg10 : memref<80x128xf32, #tpu.memory_space<vmem>>) offsets(%dma_start3A_62 : memref<80xi32, #tpu.memory_space<vmem>>) semaphore(%arg12 : memref<!tpu.dma_semaphore, #tpu.memory_space<semaphore_mem>>)
      %mul3A_66 = arith.constant 80 : i32
      %mul3A_67 = arith.muli %mul3A_57, %mul3A_66 : i32
      %dma_wait3A_68 = tpu.memref_slice %arg7[%mul3A_67] : memref<10000xi32, #tpu.memory_space<vmem>> -> memref<80xi32, #tpu.memory_space<vmem>>
      %dma_wait3A_69 = arith.constant 0 : i32
      %dma_wait3A_70 = arith.constant 0 : i32
      %dma_wait3A_71 = tpu.memref_slice %arg2[%dma_wait3A_69, %dma_wait3A_70] : memref<10240x128xf32, #tpu.memory_space<hbm>> -> memref<10240x128xf32, #tpu.memory_space<hbm>>
      tpu.wait_indirect_dma semaphore(%arg11 : memref<!tpu.dma_semaphore, #tpu.memory_space<semaphore_mem>>) src(%dma_wait3A_71 : memref<10240x128xf32, #tpu.memory_space<hbm>>) dst(%arg9 : memref<80x128xf32, #tpu.memory_space<vmem>>)
      "tpu.region"() ({
        %run_scoped3A_90 = tpu.sem_alloc : memref<!tpu.dma_semaphore, #tpu.memory_space<semaphore_mem>>
        %dma_start3A_91 = arith.constant 0 : i32
        %dma_start3A_92 = tpu.memref_slice %arg8[%mul3A_57, %dma_start3A_91] : memref<125x80xi32, #tpu.memory_space<vmem>> -> memref<1x80xi32, #tpu.memory_space<vmem>>
        %dma_start3A_93 = tpu.memref_squeeze %dma_start3A_92 : memref<1x80xi32, #tpu.memory_space<vmem>> -> memref<80xi32, #tpu.memory_space<vmem>>
        %dma_start3A_94 = arith.constant 0 : i32
        %dma_start3A_95 = arith.constant 0 : i32
        %dma_start3A_96 = tpu.memref_slice %arg6[%dma_start3A_94, %dma_start3A_95] : memref<10240x128xf32, #tpu.memory_space<vmem_shared>> -> memref<10240x128xf32, #tpu.memory_space<vmem_shared>>
        tpu.enqueue_indirect_dma source(%arg9 : memref<80x128xf32, #tpu.memory_space<vmem>>) target(%dma_start3A_96 : memref<10240x128xf32, #tpu.memory_space<vmem_shared>>) offsets(%dma_start3A_93 : memref<80xi32, #tpu.memory_space<vmem>>) semaphore(%run_scoped3A_90 : memref<!tpu.dma_semaphore, #tpu.memory_space<semaphore_mem>>) {add = true}
        %dma_wait3A_97 = arith.constant 0 : i32
        %dma_wait3A_98 = tpu.memref_slice %arg8[%mul3A_57, %dma_wait3A_97] : memref<125x80xi32, #tpu.memory_space<vmem>> -> memref<1x80xi32, #tpu.memory_space<vmem>>
        %dma_wait3A_99 = tpu.memref_squeeze %dma_wait3A_98 : memref<1x80xi32, #tpu.memory_space<vmem>> -> memref<80xi32, #tpu.memory_space<vmem>>
        %dma_wait3A_100 = arith.constant 0 : i32
        %dma_wait3A_101 = arith.constant 0 : i32
        %dma_wait3A_102 = tpu.memref_slice %arg6[%dma_wait3A_100, %dma_wait3A_101] : memref<10240x128xf32, #tpu.memory_space<vmem_shared>> -> memref<10240x128xf32, #tpu.memory_space<vmem_shared>>
        tpu.wait_indirect_dma semaphore(%run_scoped3A_90 : memref<!tpu.dma_semaphore, #tpu.memory_space<semaphore_mem>>) src(%arg9 : memref<80x128xf32, #tpu.memory_space<vmem>>) dst(%dma_wait3A_102 : memref<10240x128xf32, #tpu.memory_space<vmem_shared>>)
        tpu.yield
      }) : () -> ()
      %add3A_72 = arith.constant 2 : i32
      %add3A_73 = arith.addi %mul3A_57, %add3A_72 : i32
      %mul3A_74 = arith.constant 80 : i32
      %mul3A_75 = arith.muli %add3A_73, %mul3A_74 : i32
      %dma_start3A_76 = tpu.memref_slice %arg7[%mul3A_75] : memref<10000xi32, #tpu.memory_space<vmem>> -> memref<80xi32, #tpu.memory_space<vmem>>
      %dma_start3A_77 = arith.constant 0 : i32
      %dma_start3A_78 = arith.constant 0 : i32
      %dma_start3A_79 = tpu.memref_slice %arg2[%dma_start3A_77, %dma_start3A_78] : memref<10240x128xf32, #tpu.memory_space<hbm>> -> memref<10240x128xf32, #tpu.memory_space<hbm>>
      tpu.enqueue_indirect_dma source(%dma_start3A_79 : memref<10240x128xf32, #tpu.memory_space<hbm>>) target(%arg9 : memref<80x128xf32, #tpu.memory_space<vmem>>) offsets(%dma_start3A_76 : memref<80xi32, #tpu.memory_space<vmem>>) semaphore(%arg11 : memref<!tpu.dma_semaphore, #tpu.memory_space<semaphore_mem>>)
      %add3A_80 = arith.constant 1 : i32
      %add3A_81 = arith.addi %mul3A_57, %add3A_80 : i32
      %mul3A_82 = arith.constant 80 : i32
      %mul3A_83 = arith.muli %add3A_81, %mul3A_82 : i32
      %dma_wait3A_84 = tpu.memref_slice %arg7[%mul3A_83] : memref<10000xi32, #tpu.memory_space<vmem>> -> memref<80xi32, #tpu.memory_space<vmem>>
      %dma_wait3A_85 = arith.constant 0 : i32
      %dma_wait3A_86 = arith.constant 0 : i32
      %dma_wait3A_87 = tpu.memref_slice %arg2[%dma_wait3A_85, %dma_wait3A_86] : memref<10240x128xf32, #tpu.memory_space<hbm>> -> memref<10240x128xf32, #tpu.memory_space<hbm>>
      tpu.wait_indirect_dma semaphore(%arg12 : memref<!tpu.dma_semaphore, #tpu.memory_space<semaphore_mem>>) src(%dma_wait3A_87 : memref<10240x128xf32, #tpu.memory_space<hbm>>) dst(%arg10 : memref<80x128xf32, #tpu.memory_space<vmem>>)
      %add3A_88 = arith.constant 1 : i32
      %add3A_89 = arith.addi %mul3A_57, %add3A_88 : i32
      "tpu.region"() ({
        %run_scoped3A_90 = tpu.sem_alloc : memref<!tpu.dma_semaphore, #tpu.memory_space<semaphore_mem>>
        %dma_start3A_91 = arith.constant 0 : i32
        %dma_start3A_92 = tpu.memref_slice %arg8[%add3A_89, %dma_start3A_91] : memref<125x80xi32, #tpu.memory_space<vmem>> -> memref<1x80xi32, #tpu.memory_space<vmem>>
        %dma_start3A_93 = tpu.memref_squeeze %dma_start3A_92 : memref<1x80xi32, #tpu.memory_space<vmem>> -> memref<80xi32, #tpu.memory_space<vmem>>
        %dma_start3A_94 = arith.constant 0 : i32
        %dma_start3A_95 = arith.constant 0 : i32
        %dma_start3A_96 = tpu.memref_slice %arg6[%dma_start3A_94, %dma_start3A_95] : memref<10240x128xf32, #tpu.memory_space<vmem_shared>> -> memref<10240x128xf32, #tpu.memory_space<vmem_shared>>
        tpu.enqueue_indirect_dma source(%arg10 : memref<80x128xf32, #tpu.memory_space<vmem>>) target(%dma_start3A_96 : memref<10240x128xf32, #tpu.memory_space<vmem_shared>>) offsets(%dma_start3A_93 : memref<80xi32, #tpu.memory_space<vmem>>) semaphore(%run_scoped3A_90 : memref<!tpu.dma_semaphore, #tpu.memory_space<semaphore_mem>>) {add = true}
        %dma_wait3A_97 = arith.constant 0 : i32
        %dma_wait3A_98 = tpu.memref_slice %arg8[%add3A_89, %dma_wait3A_97] : memref<125x80xi32, #tpu.memory_space<vmem>> -> memref<1x80xi32, #tpu.memory_space<vmem>>
        %dma_wait3A_99 = tpu.memref_squeeze %dma_wait3A_98 : memref<1x80xi32, #tpu.memory_space<vmem>> -> memref<80xi32, #tpu.memory_space<vmem>>
        %dma_wait3A_100 = arith.constant 0 : i32
        %dma_wait3A_101 = arith.constant 0 : i32
        %dma_wait3A_102 = tpu.memref_slice %arg6[%dma_wait3A_100, %dma_wait3A_101] : memref<10240x128xf32, #tpu.memory_space<vmem_shared>> -> memref<10240x128xf32, #tpu.memory_space<vmem_shared>>
        tpu.wait_indirect_dma semaphore(%run_scoped3A_90 : memref<!tpu.dma_semaphore, #tpu.memory_space<semaphore_mem>>) src(%arg10 : memref<80x128xf32, #tpu.memory_space<vmem>>) dst(%dma_wait3A_102 : memref<10240x128xf32, #tpu.memory_space<vmem_shared>>)
        tpu.yield
      }) : () -> ()
    }
    %scan3A_44 = arith.constant 62 : i32
    %dma_wait3A_45 = arith.constant 9920 : i32
    %dma_wait3A_46 = tpu.memref_slice %arg7[%dma_wait3A_45] : memref<10000xi32, #tpu.memory_space<vmem>> -> memref<80xi32, #tpu.memory_space<vmem>>
    %dma_wait3A_47 = arith.constant 0 : i32
    %dma_wait3A_48 = arith.constant 0 : i32
    %dma_wait3A_49 = tpu.memref_slice %arg2[%dma_wait3A_47, %dma_wait3A_48] : memref<10240x128xf32, #tpu.memory_space<hbm>> -> memref<10240x128xf32, #tpu.memory_space<hbm>>
    tpu.wait_indirect_dma semaphore(%arg11 : memref<!tpu.dma_semaphore, #tpu.memory_space<semaphore_mem>>) src(%dma_wait3A_49 : memref<10240x128xf32, #tpu.memory_space<hbm>>) dst(%arg9 : memref<80x128xf32, #tpu.memory_space<vmem>>)
    %run_scoped3A = arith.constant 124 : i32
    "tpu.region"() ({
      %run_scoped3A_55 = tpu.sem_alloc : memref<!tpu.dma_semaphore, #tpu.memory_space<semaphore_mem>>
      %dma_start3A_56 = arith.constant 0 : i32
      %dma_start3A_57 = tpu.memref_slice %arg8[%run_scoped3A, %dma_start3A_56] : memref<125x80xi32, #tpu.memory_space<vmem>> -> memref<1x80xi32, #tpu.memory_space<vmem>>
      %dma_start3A_58 = tpu.memref_squeeze %dma_start3A_57 : memref<1x80xi32, #tpu.memory_space<vmem>> -> memref<80xi32, #tpu.memory_space<vmem>>
      %dma_start3A_59 = arith.constant 0 : i32
      %dma_start3A_60 = arith.constant 0 : i32
      %dma_start3A_61 = tpu.memref_slice %arg6[%dma_start3A_59, %dma_start3A_60] : memref<10240x128xf32, #tpu.memory_space<vmem_shared>> -> memref<10240x128xf32, #tpu.memory_space<vmem_shared>>
      tpu.enqueue_indirect_dma source(%arg9 : memref<80x128xf32, #tpu.memory_space<vmem>>) target(%dma_start3A_61 : memref<10240x128xf32, #tpu.memory_space<vmem_shared>>) offsets(%dma_start3A_58 : memref<80xi32, #tpu.memory_space<vmem>>) semaphore(%run_scoped3A_55 : memref<!tpu.dma_semaphore, #tpu.memory_space<semaphore_mem>>) {add = true}
      %dma_wait3A_62 = arith.constant 0 : i32
      %dma_wait3A_63 = tpu.memref_slice %arg8[%run_scoped3A, %dma_wait3A_62] : memref<125x80xi32, #tpu.memory_space<vmem>> -> memref<1x80xi32, #tpu.memory_space<vmem>>
      %dma_wait3A_64 = tpu.memref_squeeze %dma_wait3A_63 : memref<1x80xi32, #tpu.memory_space<vmem>> -> memref<80xi32, #tpu.memory_space<vmem>>
      %dma_wait3A_65 = arith.constant 0 : i32
      %dma_wait3A_66 = arith.constant 0 : i32
      %dma_wait3A_67 = tpu.memref_slice %arg6[%dma_wait3A_65, %dma_wait3A_66] : memref<10240x128xf32, #tpu.memory_space<vmem_shared>> -> memref<10240x128xf32, #tpu.memory_space<vmem_shared>>
      tpu.wait_indirect_dma semaphore(%run_scoped3A_55 : memref<!tpu.dma_semaphore, #tpu.memory_space<semaphore_mem>>) src(%arg9 : memref<80x128xf32, #tpu.memory_space<vmem>>) dst(%dma_wait3A_67 : memref<10240x128xf32, #tpu.memory_space<vmem_shared>>)
      tpu.yield
    }) : () -> ()
    %barrier3A_50 = arith.constant 0 : index
    tpu.barrier barrier_id(%barrier3A_50)
    %mul3A_51 = arith.constant 640 : i32
    %mul3A_52 = arith.muli %arg1, %mul3A_51 : i32
    %mul3A_53 = arith.constant 640 : i32
    %mul3A_54 = arith.muli %arg1, %mul3A_53 : i32
    "tpu.region"() ({
      %run_scoped3A_55 = tpu.sem_alloc : memref<!tpu.dma_semaphore, #tpu.memory_space<semaphore_mem>>
      %dma_start3A_56 = arith.constant 0 : i32
      %dma_start3A_57 = tpu.memref_slice %arg5[%arg0, %mul3A_54, %dma_start3A_56] : memref<2x10240x128xf32, #tpu.memory_space<hbm>> -> memref<1x640x128xf32, #tpu.memory_space<hbm>>
      %dma_start3A_58 = tpu.memref_squeeze %dma_start3A_57 : memref<1x640x128xf32, #tpu.memory_space<hbm>> -> memref<640x128xf32, #tpu.memory_space<hbm>>
      %dma_start3A_59 = arith.constant 0 : i32
      %dma_start3A_60 = tpu.memref_slice %arg6[%mul3A_52, %dma_start3A_59] : memref<10240x128xf32, #tpu.memory_space<vmem_shared>> -> memref<640x128xf32, #tpu.memory_space<vmem_shared>>
      tpu.enqueue_dma source(%dma_start3A_60 : memref<640x128xf32, #tpu.memory_space<vmem_shared>>) target(%dma_start3A_58 : memref<640x128xf32, #tpu.memory_space<hbm>>) target_semaphore(%run_scoped3A_55 : memref<!tpu.dma_semaphore, #tpu.memory_space<semaphore_mem>>)
      %dma_wait3A_61 = arith.constant 0 : i32
      %dma_wait3A_62 = tpu.memref_slice %arg5[%arg0, %mul3A_54, %dma_wait3A_61] : memref<2x10240x128xf32, #tpu.memory_space<hbm>> -> memref<1x640x128xf32, #tpu.memory_space<hbm>>
      %dma_wait3A_63 = tpu.memref_squeeze %dma_wait3A_62 : memref<1x640x128xf32, #tpu.memory_space<hbm>> -> memref<640x128xf32, #tpu.memory_space<hbm>>
      %dma_wait3A_64 = arith.constant 0 : i32
      %dma_wait3A_65 = tpu.memref_slice %arg6[%mul3A_52, %dma_wait3A_64] : memref<10240x128xf32, #tpu.memory_space<vmem_shared>> -> memref<640x128xf32, #tpu.memory_space<vmem_shared>>
      tpu.wait_dma2 semaphore(%run_scoped3A_55 : memref<!tpu.dma_semaphore, #tpu.memory_space<semaphore_mem>>) src(%dma_wait3A_65 : memref<640x128xf32, #tpu.memory_space<vmem_shared>>) dst(%dma_wait3A_63 : memref<640x128xf32, #tpu.memory_space<hbm>>)
      tpu.yield
    }) : () -> ()
    return
  }
}

#map = affine_map<(d0, d1) -> (0)>
#map1 = affine_map<(d0, d1) -> (0, 0)>
module attributes {stable_mosaic.version = 14 : i64} {
  func.func @_sc_degree(%arg0: i32, %arg1: i32, %arg2: memref<320000xi32, #tpu.memory_space<hbm>>, %arg3: memref<32x10240xf32, #tpu.memory_space<hbm>>, %arg4: memref<10240xf32, #tpu.memory_space<vmem>>, %arg5: memref<10000xi32, #tpu.memory_space<vmem>>) attributes {dimension_semantics = [#tpu.dimension_semantics<core_parallel>, #tpu.dimension_semantics<subcore_parallel>], iteration_bounds = array<i64: 2, 16>, scalar_prefetch = 0 : i64, scratch_operands = 2 : i64, tpu.core_type = #tpu.core_type<sc_vector_subcore>, window_params = [{transform_indices = #map}, {transform_indices = #map1}]} {
    %mul3A = arith.constant 16 : i32
    %mul3A_0 = arith.muli %arg0, %mul3A : i32
    %add3A = arith.addi %mul3A_0, %arg1 : i32
    %scan3A = arith.constant 0 : i32
    %scan3A_1 = arith.constant 0 : i32
    %scan3A_2 = arith.constant 640 : i32
    %scan3A_3 = arith.addi %scan3A_1, %scan3A_2 : i32
    %scan3A_4 = arith.constant 1 : i32
    scf.for %scan3A_15 = %scan3A_1 to %scan3A_3 step %scan3A_4  : i32 {
      %broadcast_in_dim3A_16 = arith.constant 0.000000e+00 : f32
      %broadcast_in_dim3A_17 = vector.broadcast %broadcast_in_dim3A_16 : f32 to vector<16xf32>
      %mul3A_18 = arith.constant 16 : i32
      %mul3A_19 = arith.muli %scan3A_15, %mul3A_18 : i32
      %swap3A = arith.index_cast %mul3A_19 : i32 to index
      %swap3A_20 = tpu.vector_load %arg4[%swap3A] {strides = array<i32>} : memref<10240xf32, #tpu.memory_space<vmem>>, vector<16xf32>,
      tpu.vector_store %arg4[%swap3A], %broadcast_in_dim3A_17 {strides = array<i32>} : memref<10240xf32, #tpu.memory_space<vmem>>, vector<16xf32>,
    }
    %scan3A_5 = arith.constant 640 : i32
    %mul3A_6 = arith.constant 10000 : i32
    %mul3A_7 = arith.muli %add3A, %mul3A_6 : i32
    "tpu.region"() ({
      %run_scoped3A = tpu.sem_alloc : memref<!tpu.dma_semaphore, #tpu.memory_space<semaphore_mem>>
      %dma_start3A = tpu.memref_slice %arg2[%mul3A_7] : memref<320000xi32, #tpu.memory_space<hbm>> -> memref<10000xi32, #tpu.memory_space<hbm>>
      %dma_start3A_15 = tpu.memref_slice %arg2[%mul3A_7] : memref<320000xi32, #tpu.memory_space<hbm>> -> memref<10000xi32, #tpu.memory_space<hbm>>
      tpu.enqueue_dma source(%dma_start3A_15 : memref<10000xi32, #tpu.memory_space<hbm>>) target(%arg5 : memref<10000xi32, #tpu.memory_space<vmem>>) target_semaphore(%run_scoped3A : memref<!tpu.dma_semaphore, #tpu.memory_space<semaphore_mem>>)
      %dma_wait3A = tpu.memref_slice %arg2[%mul3A_7] : memref<320000xi32, #tpu.memory_space<hbm>> -> memref<10000xi32, #tpu.memory_space<hbm>>
      %dma_wait3A_16 = tpu.memref_slice %arg2[%mul3A_7] : memref<320000xi32, #tpu.memory_space<hbm>> -> memref<10000xi32, #tpu.memory_space<hbm>>
      tpu.wait_dma2 semaphore(%run_scoped3A : memref<!tpu.dma_semaphore, #tpu.memory_space<semaphore_mem>>) src(%dma_wait3A_16 : memref<10000xi32, #tpu.memory_space<hbm>>) dst(%arg5 : memref<10000xi32, #tpu.memory_space<vmem>>)
      tpu.yield
    }) : () -> ()
    %broadcast_in_dim3A = arith.constant 1.000000e+00 : f32
    %broadcast_in_dim3A_8 = vector.broadcast %broadcast_in_dim3A : f32 to vector<16xf32>
    %scan3A_9 = arith.constant 0 : i32
    %scan3A_10 = arith.constant 0 : i32
    %scan3A_11 = arith.constant 625 : i32
    %scan3A_12 = arith.addi %scan3A_10, %scan3A_11 : i32
    %scan3A_13 = arith.constant 1 : i32
    scf.for %scan3A_15 = %scan3A_10 to %scan3A_12 step %scan3A_13  : i32 {
      %mul3A_16 = arith.constant 16 : i32
      %mul3A_17 = arith.muli %scan3A_15, %mul3A_16 : i32
      %get3A = arith.index_cast %mul3A_17 : i32 to index
      %get3A_18 = tpu.vector_load %arg5[%get3A] {strides = array<i32>} : memref<10000xi32, #tpu.memory_space<vmem>>, vector<16xi32>,
      tpu.vector_store_idx %arg4[%get3A_18], %broadcast_in_dim3A_8 {add = true} : memref<10240xf32, #tpu.memory_space<vmem>>[vector<16xi32>], vector<16xf32>,
    }
    %scan3A_14 = arith.constant 625 : i32
    "tpu.region"() ({
      %run_scoped3A = tpu.sem_alloc : memref<!tpu.dma_semaphore, #tpu.memory_space<semaphore_mem>>
      %dma_start3A = arith.constant 0 : i32
      %dma_start3A_15 = tpu.memref_slice %arg3[%add3A, %dma_start3A] : memref<32x10240xf32, #tpu.memory_space<hbm>> -> memref<1x10240xf32, #tpu.memory_space<hbm>>
      %dma_start3A_16 = tpu.memref_squeeze %dma_start3A_15 : memref<1x10240xf32, #tpu.memory_space<hbm>> -> memref<10240xf32, #tpu.memory_space<hbm>>
      %dma_start3A_17 = arith.constant 0 : i32
      %dma_start3A_18 = tpu.memref_slice %arg3[%add3A, %dma_start3A_17] : memref<32x10240xf32, #tpu.memory_space<hbm>> -> memref<1x10240xf32, #tpu.memory_space<hbm>>
      %dma_start3A_19 = tpu.memref_squeeze %dma_start3A_18 : memref<1x10240xf32, #tpu.memory_space<hbm>> -> memref<10240xf32, #tpu.memory_space<hbm>>
      tpu.enqueue_dma source(%arg4 : memref<10240xf32, #tpu.memory_space<vmem>>) target(%dma_start3A_19 : memref<10240xf32, #tpu.memory_space<hbm>>) target_semaphore(%run_scoped3A : memref<!tpu.dma_semaphore, #tpu.memory_space<semaphore_mem>>)
      %dma_wait3A = arith.constant 0 : i32
      %dma_wait3A_20 = tpu.memref_slice %arg3[%add3A, %dma_wait3A] : memref<32x10240xf32, #tpu.memory_space<hbm>> -> memref<1x10240xf32, #tpu.memory_space<hbm>>
      %dma_wait3A_21 = tpu.memref_squeeze %dma_wait3A_20 : memref<1x10240xf32, #tpu.memory_space<hbm>> -> memref<10240xf32, #tpu.memory_space<hbm>>
      %dma_wait3A_22 = arith.constant 0 : i32
      %dma_wait3A_23 = tpu.memref_slice %arg3[%add3A, %dma_wait3A_22] : memref<32x10240xf32, #tpu.memory_space<hbm>> -> memref<1x10240xf32, #tpu.memory_space<hbm>>
      %dma_wait3A_24 = tpu.memref_squeeze %dma_wait3A_23 : memref<1x10240xf32, #tpu.memory_space<hbm>> -> memref<10240xf32, #tpu.memory_space<hbm>>
      tpu.wait_dma2 semaphore(%run_scoped3A : memref<!tpu.dma_semaphore, #tpu.memory_space<semaphore_mem>>) src(%arg4 : memref<10240xf32, #tpu.memory_space<vmem>>) dst(%dma_wait3A_24 : memref<10240xf32, #tpu.memory_space<hbm>>)
      tpu.yield
    }) : () -> ()
    return
  }
}

#map = affine_map<(d0, d1) -> (0, 0)>
#map1 = affine_map<(d0, d1) -> (0)>
#map2 = affine_map<(d0, d1) -> (0, 0, 0)>
module attributes {stable_mosaic.version = 14 : i64} {
  func.func @_sc_scatter(%arg0: i32, %arg1: i32, %arg2: memref<10240x128xf32, #tpu.memory_space<hbm>>, %arg3: memref<320000xi32, #tpu.memory_space<hbm>>, %arg4: memref<32x125x80xi32, #tpu.memory_space<hbm>>, %arg5: memref<2x10240x128xf32, #tpu.memory_space<hbm>>, %arg6: memref<10240x128xf32, #tpu.memory_space<vmem_shared>>, %arg7: memref<10000xi32, #tpu.memory_space<vmem>>, %arg8: memref<125x80xi32, #tpu.memory_space<vmem>>, %arg9: memref<80x128xf32, #tpu.memory_space<vmem>>, %arg10: memref<80x128xf32, #tpu.memory_space<vmem>>, %arg11: memref<!tpu.dma_semaphore, #tpu.memory_space<semaphore_mem>>, %arg12: memref<!tpu.dma_semaphore, #tpu.memory_space<semaphore_mem>>, %arg13: memref<!tpu.dma_semaphore, #tpu.memory_space<semaphore_mem>>) attributes {dimension_semantics = [#tpu.dimension_semantics<core_parallel>, #tpu.dimension_semantics<subcore_parallel>], iteration_bounds = array<i64: 2, 16>, scalar_prefetch = 0 : i64, scratch_operands = 8 : i64, tpu.core_type = #tpu.core_type<sc_vector_subcore>, window_params = [{transform_indices = #map}, {transform_indices = #map1}, {transform_indices = #map2}, {transform_indices = #map2}]} {
    %mul3A = arith.constant 16 : i32
    %mul3A_0 = arith.muli %arg0, %mul3A : i32
    %add3A = arith.addi %mul3A_0, %arg1 : i32
    %mul3A_1 = arith.constant 640 : i32
    %mul3A_2 = arith.muli %arg1, %mul3A_1 : i32
    %mul3A_3 = arith.constant 640 : i32
    %mul3A_4 = arith.muli %arg1, %mul3A_3 : i32
    %dma_start3A = arith.constant 0 : i32
    %dma_start3A_5 = tpu.memref_slice %arg6[%mul3A_4, %dma_start3A] : memref<10240x128xf32, #tpu.memory_space<vmem_shared>> -> memref<640x128xf32, #tpu.memory_space<vmem_shared>>
    %dma_start3A_6 = arith.constant 0 : i32
    %dma_start3A_7 = tpu.memref_slice %arg2[%mul3A_2, %dma_start3A_6] : memref<10240x128xf32, #tpu.memory_space<hbm>> -> memref<640x128xf32, #tpu.memory_space<hbm>>
    tpu.enqueue_dma source(%dma_start3A_7 : memref<640x128xf32, #tpu.memory_space<hbm>>) target(%dma_start3A_5 : memref<640x128xf32, #tpu.memory_space<vmem_shared>>) target_semaphore(%arg13 : memref<!tpu.dma_semaphore, #tpu.memory_space<semaphore_mem>>)
    %mul3A_8 = arith.constant 10000 : i32
    %mul3A_9 = arith.muli %add3A, %mul3A_8 : i32
    %dma_start3A_10 = tpu.memref_slice %arg3[%mul3A_9] : memref<320000xi32, #tpu.memory_space<hbm>> -> memref<10000xi32, #tpu.memory_space<hbm>>
    %dma_start3A_11 = tpu.memref_slice %arg3[%mul3A_9] : memref<320000xi32, #tpu.memory_space<hbm>> -> memref<10000xi32, #tpu.memory_space<hbm>>
    tpu.enqueue_dma source(%dma_start3A_11 : memref<10000xi32, #tpu.memory_space<hbm>>) target(%arg7 : memref<10000xi32, #tpu.memory_space<vmem>>) target_semaphore(%arg11 : memref<!tpu.dma_semaphore, #tpu.memory_space<semaphore_mem>>)
    %dma_start3A_12 = arith.constant 0 : i32
    %dma_start3A_13 = arith.constant 0 : i32
    %dma_start3A_14 = tpu.memref_slice %arg4[%add3A, %dma_start3A_12, %dma_start3A_13] : memref<32x125x80xi32, #tpu.memory_space<hbm>> -> memref<1x125x80xi32, #tpu.memory_space<hbm>>
    %dma_start3A_15 = tpu.memref_squeeze %dma_start3A_14 : memref<1x125x80xi32, #tpu.memory_space<hbm>> -> memref<125x80xi32, #tpu.memory_space<hbm>>
    %dma_start3A_16 = arith.constant 0 : i32
    %dma_start3A_17 = arith.constant 0 : i32
    %dma_start3A_18 = tpu.memref_slice %arg4[%add3A, %dma_start3A_16, %dma_start3A_17] : memref<32x125x80xi32, #tpu.memory_space<hbm>> -> memref<1x125x80xi32, #tpu.memory_space<hbm>>
    %dma_start3A_19 = tpu.memref_squeeze %dma_start3A_18 : memref<1x125x80xi32, #tpu.memory_space<hbm>> -> memref<125x80xi32, #tpu.memory_space<hbm>>
    tpu.enqueue_dma source(%dma_start3A_19 : memref<125x80xi32, #tpu.memory_space<hbm>>) target(%arg8 : memref<125x80xi32, #tpu.memory_space<vmem>>) target_semaphore(%arg12 : memref<!tpu.dma_semaphore, #tpu.memory_space<semaphore_mem>>)
    %dma_wait3A = arith.constant 0 : i32
    %dma_wait3A_20 = tpu.memref_slice %arg6[%mul3A_4, %dma_wait3A] : memref<10240x128xf32, #tpu.memory_space<vmem_shared>> -> memref<640x128xf32, #tpu.memory_space<vmem_shared>>
    %dma_wait3A_21 = arith.constant 0 : i32
    %dma_wait3A_22 = tpu.memref_slice %arg2[%mul3A_2, %dma_wait3A_21] : memref<10240x128xf32, #tpu.memory_space<hbm>> -> memref<640x128xf32, #tpu.memory_space<hbm>>
    tpu.wait_dma2 semaphore(%arg13 : memref<!tpu.dma_semaphore, #tpu.memory_space<semaphore_mem>>) src(%dma_wait3A_22 : memref<640x128xf32, #tpu.memory_space<hbm>>) dst(%dma_wait3A_20 : memref<640x128xf32, #tpu.memory_space<vmem_shared>>)
    %mul3A_23 = arith.constant 10000 : i32
    %mul3A_24 = arith.muli %add3A, %mul3A_23 : i32
    %dma_wait3A_25 = tpu.memref_slice %arg3[%mul3A_24] : memref<320000xi32, #tpu.memory_space<hbm>> -> memref<10000xi32, #tpu.memory_space<hbm>>
    %dma_wait3A_26 = tpu.memref_slice %arg3[%mul3A_24] : memref<320000xi32, #tpu.memory_space<hbm>> -> memref<10000xi32, #tpu.memory_space<hbm>>
    tpu.wait_dma2 semaphore(%arg11 : memref<!tpu.dma_semaphore, #tpu.memory_space<semaphore_mem>>) src(%dma_wait3A_26 : memref<10000xi32, #tpu.memory_space<hbm>>) dst(%arg7 : memref<10000xi32, #tpu.memory_space<vmem>>)
    %dma_wait3A_27 = arith.constant 0 : i32
    %dma_wait3A_28 = arith.constant 0 : i32
    %dma_wait3A_29 = tpu.memref_slice %arg4[%add3A, %dma_wait3A_27, %dma_wait3A_28] : memref<32x125x80xi32, #tpu.memory_space<hbm>> -> memref<1x125x80xi32, #tpu.memory_space<hbm>>
    %dma_wait3A_30 = tpu.memref_squeeze %dma_wait3A_29 : memref<1x125x80xi32, #tpu.memory_space<hbm>> -> memref<125x80xi32, #tpu.memory_space<hbm>>
    %dma_wait3A_31 = arith.constant 0 : i32
    %dma_wait3A_32 = arith.constant 0 : i32
    %dma_wait3A_33 = tpu.memref_slice %arg4[%add3A, %dma_wait3A_31, %dma_wait3A_32] : memref<32x125x80xi32, #tpu.memory_space<hbm>> -> memref<1x125x80xi32, #tpu.memory_space<hbm>>
    %dma_wait3A_34 = tpu.memref_squeeze %dma_wait3A_33 : memref<1x125x80xi32, #tpu.memory_space<hbm>> -> memref<125x80xi32, #tpu.memory_space<hbm>>
    tpu.wait_dma2 semaphore(%arg12 : memref<!tpu.dma_semaphore, #tpu.memory_space<semaphore_mem>>) src(%dma_wait3A_34 : memref<125x80xi32, #tpu.memory_space<hbm>>) dst(%arg8 : memref<125x80xi32, #tpu.memory_space<vmem>>)
    %barrier3A = arith.constant 0 : index
    tpu.barrier barrier_id(%barrier3A)
    %dma_start3A_35 = arith.constant 0 : i32
    %dma_start3A_36 = tpu.memref_slice %arg7[%dma_start3A_35] : memref<10000xi32, #tpu.memory_space<vmem>> -> memref<80xi32, #tpu.memory_space<vmem>>
    %dma_start3A_37 = arith.constant 0 : i32
    %dma_start3A_38 = arith.constant 0 : i32
    %dma_start3A_39 = tpu.memref_slice %arg2[%dma_start3A_37, %dma_start3A_38] : memref<10240x128xf32, #tpu.memory_space<hbm>> -> memref<10240x128xf32, #tpu.memory_space<hbm>>
    tpu.enqueue_indirect_dma source(%dma_start3A_39 : memref<10240x128xf32, #tpu.memory_space<hbm>>) target(%arg9 : memref<80x128xf32, #tpu.memory_space<vmem>>) offsets(%dma_start3A_36 : memref<80xi32, #tpu.memory_space<vmem>>) semaphore(%arg11 : memref<!tpu.dma_semaphore, #tpu.memory_space<semaphore_mem>>)
    %scan3A = arith.constant 0 : i32
    %scan3A_40 = arith.constant 0 : i32
    %scan3A_41 = arith.constant 62 : i32
    %scan3A_42 = arith.addi %scan3A_40, %scan3A_41 : i32
    %scan3A_43 = arith.constant 1 : i32
    scf.for %scan3A_55 = %scan3A_40 to %scan3A_42 step %scan3A_43  : i32 {
      %mul3A_56 = arith.constant 2 : i32
      %mul3A_57 = arith.muli %mul3A_56, %scan3A_55 : i32
      %add3A_58 = arith.constant 1 : i32
      %add3A_59 = arith.addi %mul3A_57, %add3A_58 : i32
      %mul3A_60 = arith.constant 80 : i32
      %mul3A_61 = arith.muli %add3A_59, %mul3A_60 : i32
      %dma_start3A_62 = tpu.memref_slice %arg7[%mul3A_61] : memref<10000xi32, #tpu.memory_space<vmem>> -> memref<80xi32, #tpu.memory_space<vmem>>
      %dma_start3A_63 = arith.constant 0 : i32
      %dma_start3A_64 = arith.constant 0 : i32
      %dma_start3A_65 = tpu.memref_slice %arg2[%dma_start3A_63, %dma_start3A_64] : memref<10240x128xf32, #tpu.memory_space<hbm>> -> memref<10240x128xf32, #tpu.memory_space<hbm>>
      tpu.enqueue_indirect_dma source(%dma_start3A_65 : memref<10240x128xf32, #tpu.memory_space<hbm>>) target(%arg10 : memref<80x128xf32, #tpu.memory_space<vmem>>) offsets(%dma_start3A_62 : memref<80xi32, #tpu.memory_space<vmem>>) semaphore(%arg12 : memref<!tpu.dma_semaphore, #tpu.memory_space<semaphore_mem>>)
      %mul3A_66 = arith.constant 80 : i32
      %mul3A_67 = arith.muli %mul3A_57, %mul3A_66 : i32
      %dma_wait3A_68 = tpu.memref_slice %arg7[%mul3A_67] : memref<10000xi32, #tpu.memory_space<vmem>> -> memref<80xi32, #tpu.memory_space<vmem>>
      %dma_wait3A_69 = arith.constant 0 : i32
      %dma_wait3A_70 = arith.constant 0 : i32
      %dma_wait3A_71 = tpu.memref_slice %arg2[%dma_wait3A_69, %dma_wait3A_70] : memref<10240x128xf32, #tpu.memory_space<hbm>> -> memref<10240x128xf32, #tpu.memory_space<hbm>>
      tpu.wait_indirect_dma semaphore(%arg11 : memref<!tpu.dma_semaphore, #tpu.memory_space<semaphore_mem>>) src(%dma_wait3A_71 : memref<10240x128xf32, #tpu.memory_space<hbm>>) dst(%arg9 : memref<80x128xf32, #tpu.memory_space<vmem>>)
      "tpu.region"() ({
        %run_scoped3A_90 = tpu.sem_alloc : memref<!tpu.dma_semaphore, #tpu.memory_space<semaphore_mem>>
        %dma_start3A_91 = arith.constant 0 : i32
        %dma_start3A_92 = tpu.memref_slice %arg8[%mul3A_57, %dma_start3A_91] : memref<125x80xi32, #tpu.memory_space<vmem>> -> memref<1x80xi32, #tpu.memory_space<vmem>>
        %dma_start3A_93 = tpu.memref_squeeze %dma_start3A_92 : memref<1x80xi32, #tpu.memory_space<vmem>> -> memref<80xi32, #tpu.memory_space<vmem>>
        %dma_start3A_94 = arith.constant 0 : i32
        %dma_start3A_95 = arith.constant 0 : i32
        %dma_start3A_96 = tpu.memref_slice %arg6[%dma_start3A_94, %dma_start3A_95] : memref<10240x128xf32, #tpu.memory_space<vmem_shared>> -> memref<10240x128xf32, #tpu.memory_space<vmem_shared>>
        tpu.enqueue_indirect_dma source(%arg9 : memref<80x128xf32, #tpu.memory_space<vmem>>) target(%dma_start3A_96 : memref<10240x128xf32, #tpu.memory_space<vmem_shared>>) offsets(%dma_start3A_93 : memref<80xi32, #tpu.memory_space<vmem>>) semaphore(%run_scoped3A_90 : memref<!tpu.dma_semaphore, #tpu.memory_space<semaphore_mem>>) {add = true}
        %dma_wait3A_97 = arith.constant 0 : i32
        %dma_wait3A_98 = tpu.memref_slice %arg8[%mul3A_57, %dma_wait3A_97] : memref<125x80xi32, #tpu.memory_space<vmem>> -> memref<1x80xi32, #tpu.memory_space<vmem>>
        %dma_wait3A_99 = tpu.memref_squeeze %dma_wait3A_98 : memref<1x80xi32, #tpu.memory_space<vmem>> -> memref<80xi32, #tpu.memory_space<vmem>>
        %dma_wait3A_100 = arith.constant 0 : i32
        %dma_wait3A_101 = arith.constant 0 : i32
        %dma_wait3A_102 = tpu.memref_slice %arg6[%dma_wait3A_100, %dma_wait3A_101] : memref<10240x128xf32, #tpu.memory_space<vmem_shared>> -> memref<10240x128xf32, #tpu.memory_space<vmem_shared>>
        tpu.wait_indirect_dma semaphore(%run_scoped3A_90 : memref<!tpu.dma_semaphore, #tpu.memory_space<semaphore_mem>>) src(%arg9 : memref<80x128xf32, #tpu.memory_space<vmem>>) dst(%dma_wait3A_102 : memref<10240x128xf32, #tpu.memory_space<vmem_shared>>)
        tpu.yield
      }) : () -> ()
      %add3A_72 = arith.constant 2 : i32
      %add3A_73 = arith.addi %mul3A_57, %add3A_72 : i32
      %mul3A_74 = arith.constant 80 : i32
      %mul3A_75 = arith.muli %add3A_73, %mul3A_74 : i32
      %dma_start3A_76 = tpu.memref_slice %arg7[%mul3A_75] : memref<10000xi32, #tpu.memory_space<vmem>> -> memref<80xi32, #tpu.memory_space<vmem>>
      %dma_start3A_77 = arith.constant 0 : i32
      %dma_start3A_78 = arith.constant 0 : i32
      %dma_start3A_79 = tpu.memref_slice %arg2[%dma_start3A_77, %dma_start3A_78] : memref<10240x128xf32, #tpu.memory_space<hbm>> -> memref<10240x128xf32, #tpu.memory_space<hbm>>
      tpu.enqueue_indirect_dma source(%dma_start3A_79 : memref<10240x128xf32, #tpu.memory_space<hbm>>) target(%arg9 : memref<80x128xf32, #tpu.memory_space<vmem>>) offsets(%dma_start3A_76 : memref<80xi32, #tpu.memory_space<vmem>>) semaphore(%arg11 : memref<!tpu.dma_semaphore, #tpu.memory_space<semaphore_mem>>)
      %add3A_80 = arith.constant 1 : i32
      %add3A_81 = arith.addi %mul3A_57, %add3A_80 : i32
      %mul3A_82 = arith.constant 80 : i32
      %mul3A_83 = arith.muli %add3A_81, %mul3A_82 : i32
      %dma_wait3A_84 = tpu.memref_slice %arg7[%mul3A_83] : memref<10000xi32, #tpu.memory_space<vmem>> -> memref<80xi32, #tpu.memory_space<vmem>>
      %dma_wait3A_85 = arith.constant 0 : i32
      %dma_wait3A_86 = arith.constant 0 : i32
      %dma_wait3A_87 = tpu.memref_slice %arg2[%dma_wait3A_85, %dma_wait3A_86] : memref<10240x128xf32, #tpu.memory_space<hbm>> -> memref<10240x128xf32, #tpu.memory_space<hbm>>
      tpu.wait_indirect_dma semaphore(%arg12 : memref<!tpu.dma_semaphore, #tpu.memory_space<semaphore_mem>>) src(%dma_wait3A_87 : memref<10240x128xf32, #tpu.memory_space<hbm>>) dst(%arg10 : memref<80x128xf32, #tpu.memory_space<vmem>>)
      %add3A_88 = arith.constant 1 : i32
      %add3A_89 = arith.addi %mul3A_57, %add3A_88 : i32
      "tpu.region"() ({
        %run_scoped3A_90 = tpu.sem_alloc : memref<!tpu.dma_semaphore, #tpu.memory_space<semaphore_mem>>
        %dma_start3A_91 = arith.constant 0 : i32
        %dma_start3A_92 = tpu.memref_slice %arg8[%add3A_89, %dma_start3A_91] : memref<125x80xi32, #tpu.memory_space<vmem>> -> memref<1x80xi32, #tpu.memory_space<vmem>>
        %dma_start3A_93 = tpu.memref_squeeze %dma_start3A_92 : memref<1x80xi32, #tpu.memory_space<vmem>> -> memref<80xi32, #tpu.memory_space<vmem>>
        %dma_start3A_94 = arith.constant 0 : i32
        %dma_start3A_95 = arith.constant 0 : i32
        %dma_start3A_96 = tpu.memref_slice %arg6[%dma_start3A_94, %dma_start3A_95] : memref<10240x128xf32, #tpu.memory_space<vmem_shared>> -> memref<10240x128xf32, #tpu.memory_space<vmem_shared>>
        tpu.enqueue_indirect_dma source(%arg10 : memref<80x128xf32, #tpu.memory_space<vmem>>) target(%dma_start3A_96 : memref<10240x128xf32, #tpu.memory_space<vmem_shared>>) offsets(%dma_start3A_93 : memref<80xi32, #tpu.memory_space<vmem>>) semaphore(%run_scoped3A_90 : memref<!tpu.dma_semaphore, #tpu.memory_space<semaphore_mem>>) {add = true}
        %dma_wait3A_97 = arith.constant 0 : i32
        %dma_wait3A_98 = tpu.memref_slice %arg8[%add3A_89, %dma_wait3A_97] : memref<125x80xi32, #tpu.memory_space<vmem>> -> memref<1x80xi32, #tpu.memory_space<vmem>>
        %dma_wait3A_99 = tpu.memref_squeeze %dma_wait3A_98 : memref<1x80xi32, #tpu.memory_space<vmem>> -> memref<80xi32, #tpu.memory_space<vmem>>
        %dma_wait3A_100 = arith.constant 0 : i32
        %dma_wait3A_101 = arith.constant 0 : i32
        %dma_wait3A_102 = tpu.memref_slice %arg6[%dma_wait3A_100, %dma_wait3A_101] : memref<10240x128xf32, #tpu.memory_space<vmem_shared>> -> memref<10240x128xf32, #tpu.memory_space<vmem_shared>>
        tpu.wait_indirect_dma semaphore(%run_scoped3A_90 : memref<!tpu.dma_semaphore, #tpu.memory_space<semaphore_mem>>) src(%arg10 : memref<80x128xf32, #tpu.memory_space<vmem>>) dst(%dma_wait3A_102 : memref<10240x128xf32, #tpu.memory_space<vmem_shared>>)
        tpu.yield
      }) : () -> ()
    }
    %scan3A_44 = arith.constant 62 : i32
    %dma_wait3A_45 = arith.constant 9920 : i32
    %dma_wait3A_46 = tpu.memref_slice %arg7[%dma_wait3A_45] : memref<10000xi32, #tpu.memory_space<vmem>> -> memref<80xi32, #tpu.memory_space<vmem>>
    %dma_wait3A_47 = arith.constant 0 : i32
    %dma_wait3A_48 = arith.constant 0 : i32
    %dma_wait3A_49 = tpu.memref_slice %arg2[%dma_wait3A_47, %dma_wait3A_48] : memref<10240x128xf32, #tpu.memory_space<hbm>> -> memref<10240x128xf32, #tpu.memory_space<hbm>>
    tpu.wait_indirect_dma semaphore(%arg11 : memref<!tpu.dma_semaphore, #tpu.memory_space<semaphore_mem>>) src(%dma_wait3A_49 : memref<10240x128xf32, #tpu.memory_space<hbm>>) dst(%arg9 : memref<80x128xf32, #tpu.memory_space<vmem>>)
    %run_scoped3A = arith.constant 124 : i32
    "tpu.region"() ({
      %run_scoped3A_55 = tpu.sem_alloc : memref<!tpu.dma_semaphore, #tpu.memory_space<semaphore_mem>>
      %dma_start3A_56 = arith.constant 0 : i32
      %dma_start3A_57 = tpu.memref_slice %arg8[%run_scoped3A, %dma_start3A_56] : memref<125x80xi32, #tpu.memory_space<vmem>> -> memref<1x80xi32, #tpu.memory_space<vmem>>
      %dma_start3A_58 = tpu.memref_squeeze %dma_start3A_57 : memref<1x80xi32, #tpu.memory_space<vmem>> -> memref<80xi32, #tpu.memory_space<vmem>>
      %dma_start3A_59 = arith.constant 0 : i32
      %dma_start3A_60 = arith.constant 0 : i32
      %dma_start3A_61 = tpu.memref_slice %arg6[%dma_start3A_59, %dma_start3A_60] : memref<10240x128xf32, #tpu.memory_space<vmem_shared>> -> memref<10240x128xf32, #tpu.memory_space<vmem_shared>>
      tpu.enqueue_indirect_dma source(%arg9 : memref<80x128xf32, #tpu.memory_space<vmem>>) target(%dma_start3A_61 : memref<10240x128xf32, #tpu.memory_space<vmem_shared>>) offsets(%dma_start3A_58 : memref<80xi32, #tpu.memory_space<vmem>>) semaphore(%run_scoped3A_55 : memref<!tpu.dma_semaphore, #tpu.memory_space<semaphore_mem>>) {add = true}
      %dma_wait3A_62 = arith.constant 0 : i32
      %dma_wait3A_63 = tpu.memref_slice %arg8[%run_scoped3A, %dma_wait3A_62] : memref<125x80xi32, #tpu.memory_space<vmem>> -> memref<1x80xi32, #tpu.memory_space<vmem>>
      %dma_wait3A_64 = tpu.memref_squeeze %dma_wait3A_63 : memref<1x80xi32, #tpu.memory_space<vmem>> -> memref<80xi32, #tpu.memory_space<vmem>>
      %dma_wait3A_65 = arith.constant 0 : i32
      %dma_wait3A_66 = arith.constant 0 : i32
      %dma_wait3A_67 = tpu.memref_slice %arg6[%dma_wait3A_65, %dma_wait3A_66] : memref<10240x128xf32, #tpu.memory_space<vmem_shared>> -> memref<10240x128xf32, #tpu.memory_space<vmem_shared>>
      tpu.wait_indirect_dma semaphore(%run_scoped3A_55 : memref<!tpu.dma_semaphore, #tpu.memory_space<semaphore_mem>>) src(%arg9 : memref<80x128xf32, #tpu.memory_space<vmem>>) dst(%dma_wait3A_67 : memref<10240x128xf32, #tpu.memory_space<vmem_shared>>)
      tpu.yield
    }) : () -> ()
    %barrier3A_50 = arith.constant 0 : index
    tpu.barrier barrier_id(%barrier3A_50)
    %mul3A_51 = arith.constant 640 : i32
    %mul3A_52 = arith.muli %arg1, %mul3A_51 : i32
    %mul3A_53 = arith.constant 640 : i32
    %mul3A_54 = arith.muli %arg1, %mul3A_53 : i32
    "tpu.region"() ({
      %run_scoped3A_55 = tpu.sem_alloc : memref<!tpu.dma_semaphore, #tpu.memory_space<semaphore_mem>>
      %dma_start3A_56 = arith.constant 0 : i32
      %dma_start3A_57 = tpu.memref_slice %arg5[%arg0, %mul3A_54, %dma_start3A_56] : memref<2x10240x128xf32, #tpu.memory_space<hbm>> -> memref<1x640x128xf32, #tpu.memory_space<hbm>>
      %dma_start3A_58 = tpu.memref_squeeze %dma_start3A_57 : memref<1x640x128xf32, #tpu.memory_space<hbm>> -> memref<640x128xf32, #tpu.memory_space<hbm>>
      %dma_start3A_59 = arith.constant 0 : i32
      %dma_start3A_60 = tpu.memref_slice %arg6[%mul3A_52, %dma_start3A_59] : memref<10240x128xf32, #tpu.memory_space<vmem_shared>> -> memref<640x128xf32, #tpu.memory_space<vmem_shared>>
      tpu.enqueue_dma source(%dma_start3A_60 : memref<640x128xf32, #tpu.memory_space<vmem_shared>>) target(%dma_start3A_58 : memref<640x128xf32, #tpu.memory_space<hbm>>) target_semaphore(%run_scoped3A_55 : memref<!tpu.dma_semaphore, #tpu.memory_space<semaphore_mem>>)
      %dma_wait3A_61 = arith.constant 0 : i32
      %dma_wait3A_62 = tpu.memref_slice %arg5[%arg0, %mul3A_54, %dma_wait3A_61] : memref<2x10240x128xf32, #tpu.memory_space<hbm>> -> memref<1x640x128xf32, #tpu.memory_space<hbm>>
      %dma_wait3A_63 = tpu.memref_squeeze %dma_wait3A_62 : memref<1x640x128xf32, #tpu.memory_space<hbm>> -> memref<640x128xf32, #tpu.memory_space<hbm>>
      %dma_wait3A_64 = arith.constant 0 : i32
      %dma_wait3A_65 = tpu.memref_slice %arg6[%mul3A_52, %dma_wait3A_64] : memref<10240x128xf32, #tpu.memory_space<vmem_shared>> -> memref<640x128xf32, #tpu.memory_space<vmem_shared>>
      tpu.wait_dma2 semaphore(%run_scoped3A_55 : memref<!tpu.dma_semaphore, #tpu.memory_space<semaphore_mem>>) src(%dma_wait3A_65 : memref<640x128xf32, #tpu.memory_space<vmem_shared>>) dst(%dma_wait3A_63 : memref<640x128xf32, #tpu.memory_space<hbm>>)
      tpu.yield
    }) : () -> ()
    return
  }
}

module attributes {stable_mosaic.version = 14 : i64} {
  func.func @_tc_stage1_body(%arg0: i32, %arg1: memref<32x640xf32, #tpu.memory_space<vmem>>, %arg2: memref<640x128xf32, #tpu.memory_space<vmem>>, %arg3: memref<128x128xf32, #tpu.memory_space<vmem>>, %arg4: memref<640x128xf32, #tpu.memory_space<vmem>>, %arg5: memref<640x1xf32, #tpu.memory_space<vmem>>) attributes {dimension_semantics = [#tpu.dimension_semantics<arbitrary>], iteration_bounds = array<i64: 16>, scalar_prefetch = 0 : i64, scratch_operands = 0 : i64, tpu.core_type = #tpu.core_type<tc>, window_params = [{transform_indices = @transform_0, window_bounds = array<i64: 32, 640>}, {transform_indices = @transform_1, window_bounds = array<i64: 640, 128>}, {pipeline_mode = #tpu.pipeline_mode<synchronous>, transform_indices = @transform_2, window_bounds = array<i64: 128, 128>}, {transform_indices = @transform_3, window_bounds = array<i64: 640, 128>}, {transform_indices = @transform_4, window_bounds = array<i64: 640, 1>}]} {
    %broadcast_in_dim3A = arith.constant 1.000000e+00 : f32
    %broadcast_in_dim3A_0 = vector.broadcast %broadcast_in_dim3A : f32 to vector<32x1xf32>
    %get3A = arith.constant 0 : index
    %get3A_1 = arith.constant 0 : index
    %get3A_2 = vector.load %arg1[%get3A, %get3A_1] : memref<32x640xf32, #tpu.memory_space<vmem>>, vector<32x640xf32>
    %dot_general3A = arith.constant dense<0.000000e+00> : vector<640x1xf32>
    %dot_general3A_3 = tpu.matmul %get3A_2, %broadcast_in_dim3A_0, %dot_general3A {dimension_numbers = #tpu.dot_dimension_numbers<[0], [0], [1], [1], [0, 1, 1, 1], [], []>, transpose_lhs_hint = false} : vector<32x640xf32>, vector<32x1xf32>, vector<640x1xf32> -> vector<640x1xf32>
    %add3A = arith.constant 1.000000e+00 : f32
    %add3A_4 = vector.broadcast %add3A : f32 to vector<640x1xf32>
    %add3A_5 = arith.addf %dot_general3A_3, %add3A_4 : vector<640x1xf32>
    %max3A = arith.constant 9.99999996E-13 : f32
    %max3A_6 = vector.broadcast %max3A : f32 to vector<640x1xf32>
    %max3A_7 = arith.maximumf %add3A_5, %max3A_6 : vector<640x1xf32>
    %rsqrt3A = math.rsqrt %max3A_7 : vector<640x1xf32>
    %get3A_8 = arith.constant 0 : index
    %get3A_9 = arith.constant 0 : index
    %get3A_10 = vector.load %arg2[%get3A_8, %get3A_9] : memref<640x128xf32, #tpu.memory_space<vmem>>, vector<640x128xf32>
    %get3A_11 = arith.constant 0 : index
    %get3A_12 = arith.constant 0 : index
    %get3A_13 = vector.load %arg3[%get3A_11, %get3A_12] : memref<128x128xf32, #tpu.memory_space<vmem>>, vector<128x128xf32>
    %dot_general3A_14 = arith.constant dense<0.000000e+00> : vector<640x128xf32>
    %dot_general3A_15 = tpu.matmul %get3A_10, %get3A_13, %dot_general3A_14 {dimension_numbers = #tpu.dot_dimension_numbers<[1], [0], [0], [1], [0, 0, 1, 1], [], []>, transpose_lhs_hint = false} : vector<640x128xf32>, vector<128x128xf32>, vector<640x128xf32> -> vector<640x128xf32>
    %mul3A = vector.broadcast %rsqrt3A : vector<640x1xf32> to vector<640x128xf32>
    %mul3A_16 = arith.mulf %dot_general3A_15, %mul3A : vector<640x128xf32>
    %swap3A = arith.constant 0 : index
    %swap3A_17 = arith.constant 0 : index
    %swap3A_18 = vector.load %arg4[%swap3A, %swap3A_17] : memref<640x128xf32, #tpu.memory_space<vmem>>, vector<640x128xf32>
    tpu.vector_store %arg4[%swap3A, %swap3A_17], %mul3A_16 {strides = array<i32>} : memref<640x128xf32, #tpu.memory_space<vmem>>, vector<640x128xf32>,
    %swap3A_19 = arith.constant 0 : index
    %swap3A_20 = arith.constant 0 : index
    %swap3A_21 = vector.load %arg5[%swap3A_19, %swap3A_20] : memref<640x1xf32, #tpu.memory_space<vmem>>, vector<640x1xf32>
    tpu.vector_store %arg5[%swap3A_19, %swap3A_20], %rsqrt3A {strides = array<i32>} : memref<640x1xf32, #tpu.memory_space<vmem>>, vector<640x1xf32>,
    return
  }
  func.func @transform_0(%arg0: i32) -> (i32, i32) {
    %c0_i32 = arith.constant 0 : i32
    %c0_i32_0 = arith.constant 0 : i32
    return %c0_i32, %arg0 : i32, i32
  }
  func.func @transform_1(%arg0: i32) -> (i32, i32) {
    %c0_i32 = arith.constant 0 : i32
    %c0_i32_0 = arith.constant 0 : i32
    return %arg0, %c0_i32 : i32, i32
  }
  func.func @transform_2(%arg0: i32) -> (i32, i32) {
    %c0_i32 = arith.constant 0 : i32
    %c0_i32_0 = arith.constant 0 : i32
    %c0_i32_1 = arith.constant 0 : i32
    return %c0_i32, %c0_i32_0 : i32, i32
  }
  func.func @transform_3(%arg0: i32) -> (i32, i32) {
    %c0_i32 = arith.constant 0 : i32
    %c0_i32_0 = arith.constant 0 : i32
    return %arg0, %c0_i32 : i32, i32
  }
  func.func @transform_4(%arg0: i32) -> (i32, i32) {
    %c0_i32 = arith.constant 0 : i32
    %c0_i32_0 = arith.constant 0 : i32
    return %arg0, %c0_i32 : i32, i32
  }
}

module attributes {stable_mosaic.version = 14 : i64} {
  func.func @_tc_stage2_body(%arg0: i32, %arg1: memref<2x640x128xf32, #tpu.memory_space<vmem>>, %arg2: memref<640x128xf32, #tpu.memory_space<vmem>>, %arg3: memref<640x1xf32, #tpu.memory_space<vmem>>, %arg4: memref<1x128xf32, #tpu.memory_space<vmem>>, %arg5: memref<128x128xf32, #tpu.memory_space<vmem>>, %arg6: memref<640x128xf32, #tpu.memory_space<vmem>>) attributes {dimension_semantics = [#tpu.dimension_semantics<arbitrary>], iteration_bounds = array<i64: 16>, scalar_prefetch = 0 : i64, scratch_operands = 0 : i64, tpu.core_type = #tpu.core_type<tc>, window_params = [{transform_indices = @transform_0, window_bounds = array<i64: 2, 640, 128>}, {transform_indices = @transform_1, window_bounds = array<i64: 640, 128>}, {transform_indices = @transform_2, window_bounds = array<i64: 640, 1>}, {pipeline_mode = #tpu.pipeline_mode<synchronous>, transform_indices = @transform_3, window_bounds = array<i64: 1, 128>}, {pipeline_mode = #tpu.pipeline_mode<synchronous>, transform_indices = @transform_4, window_bounds = array<i64: 128, 128>}, {transform_indices = @transform_5, window_bounds = array<i64: 640, 128>}]} {
    %get3A = arith.constant 0 : index
    %get3A_0 = arith.constant 0 : index
    %get3A_1 = arith.constant 0 : index
    %get3A_2 = vector.load %arg1[%get3A, %get3A_0, %get3A_1] : memref<2x640x128xf32, #tpu.memory_space<vmem>>, vector<1x640x128xf32>
    %get3A_3 = vector.shape_cast %get3A_2 : vector<1x640x128xf32> to vector<640x128xf32>
    %get3A_4 = arith.constant 1 : index
    %get3A_5 = arith.constant 0 : index
    %get3A_6 = arith.constant 0 : index
    %get3A_7 = vector.load %arg1[%get3A_4, %get3A_5, %get3A_6] : memref<2x640x128xf32, #tpu.memory_space<vmem>>, vector<1x640x128xf32>
    %get3A_8 = vector.shape_cast %get3A_7 : vector<1x640x128xf32> to vector<640x128xf32>
    %add3A = arith.addf %get3A_3, %get3A_8 : vector<640x128xf32>
    %get3A_9 = arith.constant 0 : index
    %get3A_10 = arith.constant 0 : index
    %get3A_11 = vector.load %arg2[%get3A_9, %get3A_10] : memref<640x128xf32, #tpu.memory_space<vmem>>, vector<640x128xf32>
    %sub3A = arith.subf %add3A, %get3A_11 : vector<640x128xf32>
    %get3A_12 = arith.constant 0 : index
    %get3A_13 = arith.constant 0 : index
    %get3A_14 = vector.load %arg3[%get3A_12, %get3A_13] : memref<640x1xf32, #tpu.memory_space<vmem>>, vector<640x1xf32>
    %mul3A = vector.broadcast %get3A_14 : vector<640x1xf32> to vector<640x128xf32>
    %mul3A_15 = arith.mulf %mul3A, %sub3A : vector<640x128xf32>
    %get3A_16 = arith.constant 0 : index
    %get3A_17 = arith.constant 0 : index
    %get3A_18 = vector.load %arg4[%get3A_16, %get3A_17] : memref<1x128xf32, #tpu.memory_space<vmem>>, vector<1x128xf32>
    %add3A_19 = vector.broadcast %get3A_18 : vector<1x128xf32> to vector<640x128xf32>
    %add3A_20 = arith.addf %mul3A_15, %add3A_19 : vector<640x128xf32>
    %max3A = arith.constant 0.000000e+00 : f32
    %max3A_21 = vector.broadcast %max3A : f32 to vector<640x128xf32>
    %max3A_22 = arith.maximumf %add3A_20, %max3A_21 : vector<640x128xf32>
    %get3A_23 = arith.constant 0 : index
    %get3A_24 = arith.constant 0 : index
    %get3A_25 = vector.load %arg5[%get3A_23, %get3A_24] : memref<128x128xf32, #tpu.memory_space<vmem>>, vector<128x128xf32>
    %dot_general3A = arith.constant dense<0.000000e+00> : vector<640x128xf32>
    %dot_general3A_26 = tpu.matmul %max3A_22, %get3A_25, %dot_general3A {dimension_numbers = #tpu.dot_dimension_numbers<[1], [0], [0], [1], [0, 0, 1, 1], [], []>, transpose_lhs_hint = false} : vector<640x128xf32>, vector<128x128xf32>, vector<640x128xf32> -> vector<640x128xf32>
    %get3A_27 = arith.constant 0 : index
    %get3A_28 = arith.constant 0 : index
    %get3A_29 = vector.load %arg3[%get3A_27, %get3A_28] : memref<640x1xf32, #tpu.memory_space<vmem>>, vector<640x1xf32>
    %mul3A_30 = vector.broadcast %get3A_29 : vector<640x1xf32> to vector<640x128xf32>
    %mul3A_31 = arith.mulf %dot_general3A_26, %mul3A_30 : vector<640x128xf32>
    %swap3A = arith.constant 0 : index
    %swap3A_32 = arith.constant 0 : index
    %swap3A_33 = vector.load %arg6[%swap3A, %swap3A_32] : memref<640x128xf32, #tpu.memory_space<vmem>>, vector<640x128xf32>
    tpu.vector_store %arg6[%swap3A, %swap3A_32], %mul3A_31 {strides = array<i32>} : memref<640x128xf32, #tpu.memory_space<vmem>>, vector<640x128xf32>,
    return
  }
  func.func @transform_0(%arg0: i32) -> (i32, i32, i32) {
    %c0_i32 = arith.constant 0 : i32
    %c0_i32_0 = arith.constant 0 : i32
    %c0_i32_1 = arith.constant 0 : i32
    return %c0_i32, %arg0, %c0_i32_0 : i32, i32, i32
  }
  func.func @transform_1(%arg0: i32) -> (i32, i32) {
    %c0_i32 = arith.constant 0 : i32
    %c0_i32_0 = arith.constant 0 : i32
    return %arg0, %c0_i32 : i32, i32
  }
  func.func @transform_2(%arg0: i32) -> (i32, i32) {
    %c0_i32 = arith.constant 0 : i32
    %c0_i32_0 = arith.constant 0 : i32
    return %arg0, %c0_i32 : i32, i32
  }
  func.func @transform_3(%arg0: i32) -> (i32, i32) {
    %c0_i32 = arith.constant 0 : i32
    %c0_i32_0 = arith.constant 0 : i32
    %c0_i32_1 = arith.constant 0 : i32
    return %c0_i32, %c0_i32_0 : i32, i32
  }
  func.func @transform_4(%arg0: i32) -> (i32, i32) {
    %c0_i32 = arith.constant 0 : i32
    %c0_i32_0 = arith.constant 0 : i32
    %c0_i32_1 = arith.constant 0 : i32
    return %c0_i32, %c0_i32_0 : i32, i32
  }
  func.func @transform_5(%arg0: i32) -> (i32, i32) {
    %c0_i32 = arith.constant 0 : i32
    %c0_i32_0 = arith.constant 0 : i32
    return %arg0, %c0_i32 : i32, i32
  }
}

module attributes {stable_mosaic.version = 14 : i64} {
  func.func @_tc_stage3_body(%arg0: i32, %arg1: memref<2x640x128xf32, #tpu.memory_space<vmem>>, %arg2: memref<640x128xf32, #tpu.memory_space<vmem>>, %arg3: memref<640x1xf32, #tpu.memory_space<vmem>>, %arg4: memref<1x128xf32, #tpu.memory_space<vmem>>, %arg5: memref<1x1x640xi32, #tpu.memory_space<vmem>>, %arg6: memref<128x128xf32, #tpu.memory_space<vmem>>, %arg7: memref<1x128xf32, #tpu.memory_space<vmem>>, %arg8: memref<64x128xf32, #tpu.memory_space<vmem>>, %arg9: memref<64x128xf32, #tpu.memory_space<vmem>>, %arg10: memref<64x1xf32, #tpu.memory_space<vmem>>) attributes {dimension_semantics = [#tpu.dimension_semantics<arbitrary>], iteration_bounds = array<i64: 16>, scalar_prefetch = 0 : i64, scratch_operands = 2 : i64, tpu.core_type = #tpu.core_type<tc>, window_params = [{transform_indices = @transform_0, window_bounds = array<i64: 2, 640, 128>}, {transform_indices = @transform_1, window_bounds = array<i64: 640, 128>}, {transform_indices = @transform_2, window_bounds = array<i64: 640, 1>}, {pipeline_mode = #tpu.pipeline_mode<synchronous>, transform_indices = @transform_3, window_bounds = array<i64: 1, 128>}, {transform_indices = @transform_4, window_bounds = array<i64: 1, 1, 640>}, {pipeline_mode = #tpu.pipeline_mode<synchronous>, transform_indices = @transform_5, window_bounds = array<i64: 128, 128>}, {pipeline_mode = #tpu.pipeline_mode<synchronous>, transform_indices = @transform_6, window_bounds = array<i64: 1, 128>}, {pipeline_mode = #tpu.pipeline_mode<synchronous>, transform_indices = @transform_7, window_bounds = array<i64: 64, 128>}]} {
    %eq3A = arith.constant 0 : i32
    %eq3A_0 = arith.cmpi eq, %arg0, %eq3A : i32
    %convert_element_type3A = arith.extui %eq3A_0 : i1 to i32
    %cond3A = arith.constant 0 : i32
    %cond3A_1 = arith.cmpi ne, %convert_element_type3A, %cond3A : i32
    scf.if %cond3A_1 {
      %broadcast_in_dim3A_55 = arith.constant 0.000000e+00 : f32
      %broadcast_in_dim3A_56 = vector.broadcast %broadcast_in_dim3A_55 : f32 to vector<64x128xf32>
      %swap3A_57 = arith.constant 0 : index
      %swap3A_58 = arith.constant 0 : index
      %swap3A_59 = vector.load %arg9[%swap3A_57, %swap3A_58] : memref<64x128xf32, #tpu.memory_space<vmem>>, vector<64x128xf32>
      tpu.vector_store %arg9[%swap3A_57, %swap3A_58], %broadcast_in_dim3A_56 {strides = array<i32>} : memref<64x128xf32, #tpu.memory_space<vmem>>, vector<64x128xf32>,
      %broadcast_in_dim3A_60 = arith.constant 0.000000e+00 : f32
      %broadcast_in_dim3A_61 = vector.broadcast %broadcast_in_dim3A_60 : f32 to vector<64x1xf32>
      %swap3A_62 = arith.constant 0 : index
      %swap3A_63 = arith.constant 0 : index
      %swap3A_64 = vector.load %arg10[%swap3A_62, %swap3A_63] : memref<64x1xf32, #tpu.memory_space<vmem>>, vector<64x1xf32>
      tpu.vector_store %arg10[%swap3A_62, %swap3A_63], %broadcast_in_dim3A_61 {strides = array<i32>} : memref<64x1xf32, #tpu.memory_space<vmem>>, vector<64x1xf32>,
    } else {
    }
    %get3A = arith.constant 0 : index
    %get3A_2 = arith.constant 0 : index
    %get3A_3 = arith.constant 0 : index
    %get3A_4 = vector.load %arg1[%get3A, %get3A_2, %get3A_3] : memref<2x640x128xf32, #tpu.memory_space<vmem>>, vector<1x640x128xf32>
    %get3A_5 = vector.shape_cast %get3A_4 : vector<1x640x128xf32> to vector<640x128xf32>
    %get3A_6 = arith.constant 1 : index
    %get3A_7 = arith.constant 0 : index
    %get3A_8 = arith.constant 0 : index
    %get3A_9 = vector.load %arg1[%get3A_6, %get3A_7, %get3A_8] : memref<2x640x128xf32, #tpu.memory_space<vmem>>, vector<1x640x128xf32>
    %get3A_10 = vector.shape_cast %get3A_9 : vector<1x640x128xf32> to vector<640x128xf32>
    %add3A = arith.addf %get3A_5, %get3A_10 : vector<640x128xf32>
    %get3A_11 = arith.constant 0 : index
    %get3A_12 = arith.constant 0 : index
    %get3A_13 = vector.load %arg2[%get3A_11, %get3A_12] : memref<640x128xf32, #tpu.memory_space<vmem>>, vector<640x128xf32>
    %sub3A = arith.subf %add3A, %get3A_13 : vector<640x128xf32>
    %get3A_14 = arith.constant 0 : index
    %get3A_15 = arith.constant 0 : index
    %get3A_16 = vector.load %arg3[%get3A_14, %get3A_15] : memref<640x1xf32, #tpu.memory_space<vmem>>, vector<640x1xf32>
    %mul3A = vector.broadcast %get3A_16 : vector<640x1xf32> to vector<640x128xf32>
    %mul3A_17 = arith.mulf %mul3A, %sub3A : vector<640x128xf32>
    %get3A_18 = arith.constant 0 : index
    %get3A_19 = arith.constant 0 : index
    %get3A_20 = vector.load %arg4[%get3A_18, %get3A_19] : memref<1x128xf32, #tpu.memory_space<vmem>>, vector<1x128xf32>
    %add3A_21 = vector.broadcast %get3A_20 : vector<1x128xf32> to vector<640x128xf32>
    %add3A_22 = arith.addf %mul3A_17, %add3A_21 : vector<640x128xf32>
    %max3A = arith.constant 0.000000e+00 : f32
    %max3A_23 = vector.broadcast %max3A : f32 to vector<640x128xf32>
    %max3A_24 = arith.maximumf %add3A_22, %max3A_23 : vector<640x128xf32>
    %iota3A = tpu.iota {dimensions = array<i32: 0>} : vector<64x640xi32>
    %get3A_25 = arith.constant 0 : index
    %get3A_26 = arith.constant 0 : index
    %get3A_27 = arith.constant 0 : index
    %get3A_28 = vector.load %arg5[%get3A_25, %get3A_26, %get3A_27] : memref<1x1x640xi32, #tpu.memory_space<vmem>>, vector<1x1x640xi32>
    %get3A_29 = vector.shape_cast %get3A_28 : vector<1x1x640xi32> to vector<640xi32>
    %broadcast_in_dim3A = vector.shape_cast %get3A_29 : vector<640xi32> to vector<1x640xi32>
    %eq3A_30 = vector.broadcast %broadcast_in_dim3A : vector<1x640xi32> to vector<64x640xi32>
    %eq3A_31 = arith.cmpi eq, %iota3A, %eq3A_30 : vector<64x640xi32>
    %convert_element_type3A_32 = arith.extui %eq3A_31 : vector<64x640xi1> to vector<64x640xi32>
    %convert_element_type3A_33 = arith.sitofp %convert_element_type3A_32 : vector<64x640xi32> to vector<64x640xf32>
    %get3A_34 = arith.constant 0 : index
    %get3A_35 = arith.constant 0 : index
    %get3A_36 = vector.load %arg9[%get3A_34, %get3A_35] : memref<64x128xf32, #tpu.memory_space<vmem>>, vector<64x128xf32>
    %dot_general3A = arith.constant dense<0.000000e+00> : vector<64x128xf32>
    %dot_general3A_37 = tpu.matmul %convert_element_type3A_33, %max3A_24, %dot_general3A {dimension_numbers = #tpu.dot_dimension_numbers<[1], [0], [0], [1], [0, 0, 1, 1], [], []>, transpose_lhs_hint = false} : vector<64x640xf32>, vector<640x128xf32>, vector<64x128xf32> -> vector<64x128xf32>
    %add3A_38 = arith.addf %get3A_36, %dot_general3A_37 : vector<64x128xf32>
    %swap3A = arith.constant 0 : index
    %swap3A_39 = arith.constant 0 : index
    %swap3A_40 = vector.load %arg9[%swap3A, %swap3A_39] : memref<64x128xf32, #tpu.memory_space<vmem>>, vector<64x128xf32>
    tpu.vector_store %arg9[%swap3A, %swap3A_39], %add3A_38 {strides = array<i32>} : memref<64x128xf32, #tpu.memory_space<vmem>>, vector<64x128xf32>,
    %get3A_41 = arith.constant 0 : index
    %get3A_42 = arith.constant 0 : index
    %get3A_43 = vector.load %arg10[%get3A_41, %get3A_42] : memref<64x1xf32, #tpu.memory_space<vmem>>, vector<64x1xf32>
    %reduce_sum3A = arith.constant dense<0.000000e+00> : vector<64xf32>
    %reduce_sum3A_44 = vector.multi_reduction <add>, %convert_element_type3A_33, %reduce_sum3A [1] : vector<64x640xf32> to vector<64xf32>
    %broadcast_in_dim3A_45 = vector.shape_cast %reduce_sum3A_44 : vector<64xf32> to vector<64x1xf32>
    %add3A_46 = arith.addf %get3A_43, %broadcast_in_dim3A_45 : vector<64x1xf32>
    %swap3A_47 = arith.constant 0 : index
    %swap3A_48 = arith.constant 0 : index
    %swap3A_49 = vector.load %arg10[%swap3A_47, %swap3A_48] : memref<64x1xf32, #tpu.memory_space<vmem>>, vector<64x1xf32>
    tpu.vector_store %arg10[%swap3A_47, %swap3A_48], %add3A_46 {strides = array<i32>} : memref<64x1xf32, #tpu.memory_space<vmem>>, vector<64x1xf32>,
    %eq3A_50 = arith.constant 15 : i32
    %eq3A_51 = arith.cmpi eq, %arg0, %eq3A_50 : i32
    %convert_element_type3A_52 = arith.extui %eq3A_51 : i1 to i32
    %cond3A_53 = arith.constant 0 : i32
    %cond3A_54 = arith.cmpi ne, %convert_element_type3A_52, %cond3A_53 : i32
    scf.if %cond3A_54 {
      %get3A_55 = arith.constant 0 : index
      %get3A_56 = arith.constant 0 : index
      %get3A_57 = vector.load %arg9[%get3A_55, %get3A_56] : memref<64x128xf32, #tpu.memory_space<vmem>>, vector<64x128xf32>
      %get3A_58 = arith.constant 0 : index
      %get3A_59 = arith.constant 0 : index
      %get3A_60 = vector.load %arg10[%get3A_58, %get3A_59] : memref<64x1xf32, #tpu.memory_space<vmem>>, vector<64x1xf32>
      %max3A_61 = arith.constant 1.000000e+00 : f32
      %max3A_62 = vector.broadcast %max3A_61 : f32 to vector<64x1xf32>
      %max3A_63 = arith.maximumf %get3A_60, %max3A_62 : vector<64x1xf32>
      %div3A = vector.broadcast %max3A_63 : vector<64x1xf32> to vector<64x128xf32>
      %div3A_64 = arith.divf %get3A_57, %div3A : vector<64x128xf32>
      %get3A_65 = arith.constant 0 : index
      %get3A_66 = arith.constant 0 : index
      %get3A_67 = vector.load %arg6[%get3A_65, %get3A_66] : memref<128x128xf32, #tpu.memory_space<vmem>>, vector<128x128xf32>
      %dot_general3A_68 = arith.constant dense<0.000000e+00> : vector<64x128xf32>
      %dot_general3A_69 = tpu.matmul %div3A_64, %get3A_67, %dot_general3A_68 {dimension_numbers = #tpu.dot_dimension_numbers<[1], [0], [0], [1], [0, 0, 1, 1], [], []>, transpose_lhs_hint = false} : vector<64x128xf32>, vector<128x128xf32>, vector<64x128xf32> -> vector<64x128xf32>
      %get3A_70 = arith.constant 0 : index
      %get3A_71 = arith.constant 0 : index
      %get3A_72 = vector.load %arg7[%get3A_70, %get3A_71] : memref<1x128xf32, #tpu.memory_space<vmem>>, vector<1x128xf32>
      %add3A_73 = vector.broadcast %get3A_72 : vector<1x128xf32> to vector<64x128xf32>
      %add3A_74 = arith.addf %dot_general3A_69, %add3A_73 : vector<64x128xf32>
      %swap3A_75 = arith.constant 0 : index
      %swap3A_76 = arith.constant 0 : index
      %swap3A_77 = vector.load %arg8[%swap3A_75, %swap3A_76] : memref<64x128xf32, #tpu.memory_space<vmem>>, vector<64x128xf32>
      tpu.vector_store %arg8[%swap3A_75, %swap3A_76], %add3A_74 {strides = array<i32>} : memref<64x128xf32, #tpu.memory_space<vmem>>, vector<64x128xf32>,
    } else {
    }
    return
  }
  func.func @transform_0(%arg0: i32) -> (i32, i32, i32) {
    %c0_i32 = arith.constant 0 : i32
    %c0_i32_0 = arith.constant 0 : i32
    %c0_i32_1 = arith.constant 0 : i32
    return %c0_i32, %arg0, %c0_i32_0 : i32, i32, i32
  }
  func.func @transform_1(%arg0: i32) -> (i32, i32) {
    %c0_i32 = arith.constant 0 : i32
    %c0_i32_0 = arith.constant 0 : i32
    return %arg0, %c0_i32 : i32, i32
  }
  func.func @transform_2(%arg0: i32) -> (i32, i32) {
    %c0_i32 = arith.constant 0 : i32
    %c0_i32_0 = arith.constant 0 : i32
    return %arg0, %c0_i32 : i32, i32
  }
  func.func @transform_3(%arg0: i32) -> (i32, i32) {
    %c0_i32 = arith.constant 0 : i32
    %c0_i32_0 = arith.constant 0 : i32
    %c0_i32_1 = arith.constant 0 : i32
    return %c0_i32, %c0_i32_0 : i32, i32
  }
  func.func @transform_4(%arg0: i32) -> (i32, i32, i32) {
    %c0_i32 = arith.constant 0 : i32
    %c0_i32_0 = arith.constant 0 : i32
    %c0_i32_1 = arith.constant 0 : i32
    return %arg0, %c0_i32, %c0_i32_0 : i32, i32, i32
  }
  func.func @transform_5(%arg0: i32) -> (i32, i32) {
    %c0_i32 = arith.constant 0 : i32
    %c0_i32_0 = arith.constant 0 : i32
    %c0_i32_1 = arith.constant 0 : i32
    return %c0_i32, %c0_i32_0 : i32, i32
  }
  func.func @transform_6(%arg0: i32) -> (i32, i32) {
    %c0_i32 = arith.constant 0 : i32
    %c0_i32_0 = arith.constant 0 : i32
    %c0_i32_1 = arith.constant 0 : i32
    return %c0_i32, %c0_i32_0 : i32, i32
  }
  func.func @transform_7(%arg0: i32) -> (i32, i32) {
    %c0_i32 = arith.constant 0 : i32
    %c0_i32_0 = arith.constant 0 : i32
    %c0_i32_1 = arith.constant 0 : i32
    return %c0_i32, %c0_i32_0 : i32, i32
  }
}

</mosaic_0001>

<sc_bundles>
// kernel: kernel.11.cloned.1.call-start
scs
__scs_entry_jumppad:
0x0: {  	(pc) =	sbr.rel $0x88, $3  }
0x1: {  	(tag) =	ssettag $0x0;
	lr =	simm.s32 $0x1  }
0x2: {  	[smem:$0x3F98] =	sst lr;
	_ =	strace $0xD0000000  }
0x3: {  	_ = 	snop  }
0x4: {  	_ = 	snop  }
0x5: {  	_ = 	snop  }
0x6: {  	_ = 	snop  }
0x7: {  	_ = 	snop  }
__scs_overlays_trampoline_lowered:
0x8: {  	[smem:$0x3FA7] =	sst s0  }
0x9: {  	[smem:$0x3FA8] =	sst s1  }
0xa: {  	[smem:$0x3FA9] =	sst s2  }
0xb: {  	[smem:$0x3FAA] =	sst s3  }
0xc: {  	[smem:$0x3FAB] =	sst s4  }
0xd: {  	[smem:$0x3FAC] =	sst s5  }
0xe: {  	[smem:$0x3FAD] =	sst s6  }
0xf: {  	[smem:$0x3FAE] =	sst s7  }
0x10: {  	[smem:$0x3FAF] =	sst s8  }
0x11: {  	[smem:$0x3FB0] =	sst s9;
	s0 =	simm.s32 @!p0 $0x0  }
0x12: {  	s1 =	sld [smem:$0x3F96];
	s0 =	simm.s32 @p0 $0x1  }
0x13: {  	[smem:$0x3FB1] =	sst s0;
	s0 =	simm.s32 @!p1 $0x0  }
0x14: {  	s2 =	sld [smem:$0x3F95];
	s0 =	simm.s32 @p1 $0x1  }
0x15: {  	[smem:$0x3FB2] =	sst s0;
	s0 =	simm.s32 @!p2 $0x0  }
0x16: {  	s3 =	sld [smem:$0x3FDB];
	s0 =	simm.s32 @p2 $0x1  }
0x17: {  	s4 =	simm.s32 $0x1BF5;
	[smem:$0x3FB4] =	sst s0  }
0x18: {  	s0 =	sld [smem:$0x3F97];
	_ =	swait.ge [sflag:s4], $0x0  }
0x19: {  	s7 =	sld [smem:$0x3F98]  }
0x1a: {  	s8 =	sadd.s32 $0xFFFFE003, lr  }
0x1b: {  	s9 =	sadd.s32 $0xFFFFFEF7, lr;
	s5 =	simm.s32 $0xFFFFFFFF;
	p2 =	slt.u32 s8, $0xFFFFF086  }
0x1c: {  	p1 =	slt.u32 s9, $0xF7A;
	s5 =	simm.s32 @!p2 $0x0  }
0x1d: {  	s5 =	simm.s32 @p1 $0x1;
	p0 =	seq.s32 s7, s2  }
0x1e: {  	s7 =	smul.u32 @!p0 $0xF7A, s2;
	p2 =	seq.s32 @!p0 s5, $0x0  }
0x1f: {  	s9 =	smul.u32 $0xF7A, s1;
	s8 =	simm.s32 @!p0 $0x1BF5;
	p2 =	por !p2, p0  }
0x20: {  	[sflag:s8] =	ssyncset.s32 @!p0 $0xFFFFF086;
	s6 =	sadd.s32 @!p0 s3, s7;
	s7 =	simm.s32 @!p0 $0x108  }
0x21: {  	s3 =	sadd.s32 s3, s9;
	s6 =	sadd.s32 @!p0 $0x88, s6;
	s7 =	simm.s32 @p2 $0x1082  }
0x22: {  	[simem:s7], [sflag:s8] =	dma.local @!p0 [hbm:s6], $0xF7A  }
0x23: {  	s9 =	sor.u32 $0xD0000000, s2;
	s6 =	simm.s32 $0x108;
	_ =	swait.ge @!p0 [sflag:s8], $0x0  }
0x24: {  	s3 =	sadd.s32 $0x88, s3;
	s6 =	simm.s32 @!p1 $0x1082;
	[sflag:s4] =	ssyncset.s32 $0xFFFFF086  }
0x25: {  	[simem:s6], [sflag:s4] =	dma.local [hbm:s3], $0xF7A  }
0x26: {  	[smem:$0x3F98] =	sst s1;
	(tag) =	ssettag s2;
	_ =	strace s9  }
0x27: {  	s1 =	sld [smem:$0x3FA8]  }
0x28: {  	s2 =	sld [smem:$0x3FA9]  }
0x29: {  	s4 =	sld [smem:$0x3FAB]  }
0x2a: {  	p0 =	seq.s32 s5, $0x0;
	s5 =	sld [smem:$0x3FAC]  }
0x2b: {  	s6 =	sld [smem:$0x3FAD]  }
0x2c: {  	s7 =	sld [smem:$0x3FAE]  }
0x2d: {  	s3 =	simm.s32 $0x108;
	s8 =	sld [smem:$0x3FAF]  }
0x2e: {  	s3 =	simm.s32 @!p0 $0x1082;
	s9 =	sld [smem:$0x3FB0]  }
0x2f: {  	lr =	sadd.s32 s0, s3;
	s0 =	sld [smem:$0x3FA7]  }
0x30: {  	s3 =	sld [smem:$0x3FAA]  }
0x31: {  	[smem:$0x3FB3] =	sst s10  }
0x32: {  	s10 =	sld [smem:$0x3FB1];
	_ =	sdelay $0x3  }
0x33: {  	p0 =	seq.s32 s10, $0x1;
	s10 =	sld [smem:$0x3FB3];
	_ =	sdelay $0x3  }
0x34: {  	[smem:$0x3FB3] =	sst s10  }
0x35: {  	s10 =	sld [smem:$0x3FB2];
	_ =	sdelay $0x3  }
0x36: {  	p1 =	seq.s32 s10, $0x1;
	s10 =	sld [smem:$0x3FB3];
	_ =	sdelay $0x3  }
0x37: {  	[smem:$0x3FB3] =	sst s10  }
0x38: {  	s10 =	sld [smem:$0x3FB4]  }
0x39: {  	_ = 	snop;
	(pc) =	sbr.ind lr, $3  }
0x3a: {  	_ = 	snop  }
0x3b: {  	_ = 	snop  }
0x3c: {  	p2 =	seq.s32 s10, $0x1;
	s10 =	sld [smem:$0x3FB3]  }
0x3d: {  	_ =	shalt  }
0x3e: {  	_ =	shalt  }
0x3f: {  	_ =	shalt  }
0x40: {  	_ =	shalt  }
0x41: {  	_ =	shalt  }
0x42: {  	_ =	shalt  }
0x43: {  	_ =	shalt  }
0x44: {  	_ =	shalt  }
0x45: {  	_ =	shalt  }
0x46: {  	_ =	shalt  }
0x47: {  	_ =	shalt  }
0x48: {  	_ =	shalt  }
0x49: {  	_ =	shalt  }
0x4a: {  	_ =	shalt  }
0x4b: {  	_ =	shalt  }
0x4c: {  	_ =	shalt  }
0x4d: {  	_ =	shalt  }
0x4e: {  	_ =	shalt  }
0x4f: {  	_ =	shalt  }
0x50: {  	_ =	shalt  }
0x51: {  	_ =	shalt  }
0x52: {  	_ =	shalt  }
0x53: {  	_ =	shalt  }
0x54: {  	_ =	shalt  }
0x55: {  	_ =	shalt  }
0x56: {  	_ =	shalt  }
0x57: {  	_ =	shalt  }
0x58: {  	_ =	shalt  }
0x59: {  	_ =	shalt  }
0x5a: {  	_ =	shalt  }
0x5b: {  	_ =	shalt  }
0x5c: {  	_ =	shalt  }
0x5d: {  	_ =	shalt  }
0x5e: {  	_ =	shalt  }
0x5f: {  	_ =	shalt  }
0x60: {  	_ =	shalt  }
0x61: {  	_ =	shalt  }
0x62: {  	_ =	shalt  }
0x63: {  	_ =	shalt  }
0x64: {  	_ =	shalt  }
0x65: {  	_ =	shalt  }
0x66: {  	_ =	shalt  }
0x67: {  	_ =	shalt  }
0x68: {  	_ =	shalt  }
0x69: {  	_ =	shalt  }
0x6a: {  	_ =	shalt  }
0x6b: {  	_ =	shalt  }
0x6c: {  	_ =	shalt  }
0x6d: {  	_ =	shalt  }
0x6e: {  	_ =	shalt  }
0x6f: {  	_ =	shalt  }
0x70: {  	_ =	shalt  }
0x71: {  	_ =	shalt  }
0x72: {  	_ =	shalt  }
0x73: {  	_ =	shalt  }
0x74: {  	_ =	shalt  }
0x75: {  	_ =	shalt  }
0x76: {  	_ =	shalt  }
0x77: {  	_ =	shalt  }
0x78: {  	_ =	shalt  }
0x79: {  	_ =	shalt  }
0x7a: {  	_ =	shalt  }
0x7b: {  	_ =	shalt  }
0x7c: {  	_ =	shalt  }
0x7d: {  	_ =	shalt  }
0x7e: {  	_ =	shalt  }
0x7f: {  	_ =	shalt  }
0x80: {  	_ =	shalt  }
0x81: {  	_ =	shalt  }
0x82: {  	_ =	shalt  }
0x83: {  	_ =	shalt  }
0x84: {  	_ =	shalt  }
0x85: {  	_ =	shalt  }
0x86: {  	_ =	shalt  }
0x87: {  	_ =	shalt  }
.Lfunc_end0:
.L_simem_size_0:
called_computation.1_lowered:
.L_overlay_start_0:
0x88: {  	s2 =	sld [smem:$0x3FD9]  }
0x89: {  	s3 =	sld [smem:$0x3FFE];
	_ =	sdelay $0x1  }
0x8a: {  	s1 =	srdreg.scid  }
0x8b: {  	s0 =	sand.u32 $0x1, s1  }
0x8c: {  	s16 =	sshll.u32 s0, $0xA;
	s2 =	sadd.s32 s3, s2  }
0x8d: {  	s2 =	sadd.s32 s2, s16  }
0x8e: {  	[smem:$0x3FBF] =	sst s2  }
0x8f: {  	_ = 	snop  }
0x90: {  	(tm) =	ssettm $0x1  }
0x91: {  	s17 =	sld [smem:$0x3FFB];
	_ =	sdelay $0x3  }
0x92: {  	_ =	strace s17  }
0x93: {  	s2 =	sld [smem:$0x3FFC];
	_ =	sdelay $0x3  }
0x94: {  	_ =	strace s2  }
0x95: {  	s2 =	sld [smem:$0x3FFD];
	_ =	sdelay $0x3  }
0x96: {  	_ =	strace s2  }
0x97: {  	_ =	strace $0x8FFFFFFF  }
0x98: {  	s18 =	sld [smem:$0x3FDB];
	_ =	sdelay $0x1  }
0x99: {  	s19 =	simm.s32 $_scs_section_size  }
0x9a: {  	s4 =	simm.s32 $_size__tile_overlayer_lowered;
	s5 =	simm.s32 $_tile_overlayer_lowered  }
0x9b: {  	s22 =	simm.s32 $0x1BFF;
	s21 =	sshll.u32 s5, $0x1;
	s2 =	sadd.s32 s19, s18  }
0x9c: {  	s6 =	simm.s32 $0x0;
	s20 =	sshll.u32 s4, $0x1;
	s4 =	sadd.s32 s21, s2  }
0x9d: {  	[timem:s6], [sflag:s22] =	dma.local [hbm:s4], s20  }
0x9e: {  	_ =	swait.ge [sflag:s22], s20  }
0x9f: {  	s3 =	ssub.s32 $0x0, s20;
	[sflag:s22] =	ssyncset.done $0x0  }
0xa0: {  	[sflag:s22] =	ssyncadd.s32 s3;
	_ =	sdelay $0x1  }
0xa1: {  	s23 =	simm.s32 $0x1B8B  }
0xa2: {  	_ =	swait.ge [sflag:s23], $0x1  }
0xa3: {  	[sflag:s23] =	ssyncset.done $0x0  }
0xa4: {  	s25 =	simm.s32 $0x1B8E;
	s24 =	sld [smem:$0x3FFE];
	[sflag:s23] =	ssyncadd.s32 $0xFFFFFFFF  }
0xa5: {  	s26 =	simm.s32 $execute0_lowered;
	[smem:$0x3FD2] =	sst s25  }
0xa6: {  	s4 =	sshll.u32 s26, $0x1;
	_ =	strace $0x80000049;
	[dreg:$0x1] =	wrdreg $0xFFFFFFFF  }
0xa7: {  	s28 =	simm.s32 $_size_execute0_lowered;
	s2 =	sadd.s32 s2, s4;
	[dreg:$0x0] =	wrdreg $0x0  }
0xa8: {  	s4 =	sshll.u32 s28, $0x1;
	[dreg:$0x2] =	wrdreg s2  }
0xa9: {  	[dreg:$0x3] =	wrdreg s4  }
0xaa: {  	[dreg:$0x4] =	wrdreg $0xC0  }
0xab: {  	_ =	task [dreg:s6], $0x5FFFF  }
0xac: {  	[dreg:$0x1] =	wrdreg $0xFFFFFFFF  }
0xad: {  	[dreg:$0x0] =	wrdreg $0x60  }
0xae: {  	[dreg:$0x2] =	wrdreg s24  }
0xaf: {  	[dreg:$0x3] =	wrdreg $0x0  }
0xb0: {  	[dreg:$0x4] =	wrdreg $0x9  }
0xb1: {  	_ =	task.clear_ibuf [dreg:s6], $0x5FFFF;
	_ =	strace $0x90000049  }
0xb2: {  	s29 =	simm.s32 $0x9;
	_ =	strace $0x8000004B  }
0xb3: {  	_ =	swait.ge [sflag:s29], $0x1  }
0xb4: {  	[sflag:s29] =	ssyncadd.s32 $0xFFFFFFFF  }
0xb5: {  	_ =	strace $0x9000004B  }
0xb6: {  	_ =	sfence  }
0xb7: {  	s30 =	sld [smem:$0x0];
	_ =	sdelay $0x2  }
0xb8: {  	s31 =	sshll.u32 s1, $0xD;
	s1 =	sshrl.u32 s1, $0x2  }
0xb9: {  	s3 =	sand.u32 $0x4000, s31;
	s1 =	sadd.s32 s1, s30  }
0xba: {  	s0 =	sor.u32 s3, s0;
	s1 =	sshll.u32 s1, $0x11  }
0xbb: {  	s0 =	sor.u32 s1, s0  }
0xbc: {  	s0 =	sadd.s32 $0x8F2B, s0  }
0xbd: {  	[sflag:s0] =	ssyncadd.remote.s32 $0x1  }
0xbe: {  	_ =	sfence.sel $0xFFFF  }
0xbf: {  	[dreg:$0x0] =	wrdreg $0xFFFFFFFF;
	(pc) =	sbr.abs _section_cstart, $3  }
0xc0: {  	[dreg:$0x1] =	wrdreg $0xFFFFFFFF  }
0xc1: {  	_ =	task.clear_ibuf [dreg:s6], $0x2FFFF;
	_ =	strace $0x9FFFFFFF  }
0xc2: {  	(tm) =	ssettm $0x7FFFFFFF  }
0xc3: {  	_ =	shalt  }
tec
execute0_lowered:
.L_overlay_start_1:
0x0: {  	(tag) =	ssettag $0x1  }
0x1: {  	s6 =	rddreg [dreg:$0x0]  }
0x2: {  	s0 =	srdreg.scid;
	s2 =	rddreg [dreg:$0x1]  }
0x3: {  	s3 =	simm.s32 $0x0;
	s14 =	simm.s32 $0x3;
	s15 =	simm.s32 $0x1  }
0x4: {  	s16 =	simm.s32 $0x2;
	s17 =	simm.s32 $0x50;
	s18 =	simm.s32 $0x1A780  }
0x5: {  	s19 =	simm.s32 $0x1CF80;
	s20 =	simm.s32 $0x4;
	s21 =	simm.s32 $0x1A580  }
0x6: {  	s23 =	simm.s32 $0x0;
	s5 =	sand.u32 $0x1, s0;
	s0 =	stileid.u32  }
0x7: {  	[smem:$0x7FF] =	sst s3;
	s4 =	sadd.s32 $0x30600, s6;
	s9 =	smul.u32 $0x14000, s0  }
0x8: {  	s1 =	sshll.u32 s5, $0x4;
	s10 =	smul.u32 $0x140000, s5;
	s5 =	ssub.s32 $0x2, s5  }
0x9: {  	s11 =	smul.u32 $0x50000, s0;
	s22 =	sshll.u32 s0, $0x6;
	s7 =	sor.u32 s0, s1  }
0xa: {  	s1 =	rddreg [dreg:$0x2];
	_ =	strace $0x8000004A;
	s29 =	sshrl.u32 s5, $0x1  }
0xb: {  	s8 =	smul.u32 $0x4E2, s7;
	s7 =	sshll.u32 s7, $0xB;
	s10 =	sadd.s32 s9, s10  }
0xc: {  	s13 =	ssub.s32 s5, s29;
	s30 =	sshrl.u32 s11, $0x2;
	s31 =	sshrl.u32 s9, $0x3  }
0xd: {  	s10 =	sshrl.u32 s10, $0x3;
	s12 =	sadd.s32 s7, s6;
	s11 =	sadd.s32 s30, s2  }
0xe: {  	s5 =	sadd.s32 s4, s31;
	s8 =	sadd.s32 s8, s6;
	s10 =	sadd.s32 s10, s6  }
0xf: {  	s6 =	sor.u32 $0x1C03, s22;
	s11 =	sshrl.u32 s11, $0x3;
	s22 =	sor.u32 $0x1C04, s22  }
0x10: {  	s7 =	sadd.s32 $0xC800, s8;
	s8 =	sadd.s32 $0x20600, s12;
	s9 =	sadd.s32 $0x58600, s10  }
0x11: {  	s10 =	smax.u32 s13, $0x1;
	s12 =	simm.s32 $0x14000;
	s13 =	simm.s32 $0x16780  }
.LBB2_1:
0x12: {  	[spmem:s11], [sflag:s6] =	dma.local [hbm:s5], $0x2800  }
0x13: {  	[tilespmem:s12], [sflag:$0x1] =	stream.linear.gather [hbm4b:s7+s3], $0x2710, $0x38;
	[tilespmem:$0x1F780] =	vst v63  }
0x14: {  	_ = 	snop  }
0x15: {  	[tilespmem:s13], [sflag:$0x2] =	stream.linear.gather [hbm4b:s8+s3], $0x3E80, $0x38;
	[tilespmem:$0x1F780] =	vst v63  }
0x16: {  	_ =	swait.ge [sflag:s14], $0x2800  }
0x17: {  	[sflag:s14] =	ssyncset.done $0x0  }
0x18: {  	[sflag:s14] =	ssyncadd.s32 $0xFFFFD800  }
0x19: {  	_ =	swait.ge [sflag:s15], $0x2710  }
0x1a: {  	[sflag:s15] =	ssyncset.done $0x0  }
0x1b: {  	[sflag:s15] =	ssyncadd.s32 $0xFFFFD8F0  }
0x1c: {  	_ =	swait.ge [sflag:s16], $0x3E80  }
0x1d: {  	[sflag:s16] =	ssyncset.done $0x0  }
0x1e: {  	[sflag:s16] =	ssyncadd.s32 $0xFFFFC180  }
0x1f: {  	[bflag:$0x0] =	sbarrier.arrive $0xFFFF  }
0x20: {  	[tilespmem:s18], [sflag:$0x1] =	stream.indirect.gather [hbm4b:s4+s17], $0x80, s12, s17, $0xb8;
	[tilespmem:$0x1F780] =	vst v63  }
0x21: {  	s24 =	simm.s32 $0x14050  }
0x22: {  	[tilespmem:s19], [sflag:$0x2] =	stream.indirect.gather [hbm4b:s4+s17], $0x80, s24, s17, $0xb8;
	[tilespmem:$0x1F780] =	vst v63  }
0x23: {  	_ =	swait.ge [sflag:s15], $0x2800  }
0x24: {  	[sflag:s15] =	ssyncset.done $0x0  }
0x25: {  	s29 =	simm.s32 $0x16780;
	[sflag:s15] =	ssyncadd.s32 $0xFFFFD800  }
0x26: {  	[spmem:s2] =	stream.indirect.scatter.add.f32 [tilespmem:s18], [sflag:$0x4], $0x80, s29, s17, $0xb8;
	[tilespmem:$0x1F780] =	vst v63  }
0x27: {  	_ =	swait.ge [sflag:s20], $0x2800  }
0x28: {  	[sflag:s20] =	ssyncset.done $0x0  }
0x29: {  	s30 =	simm.s32 $0x140A0;
	[sflag:s20] =	ssyncadd.s32 $0xFFFFD800  }
0x2a: {  	[tilespmem:s18], [sflag:$0x1] =	stream.indirect.gather [hbm4b:s4+s17], $0x80, s30, s17, $0xb8;
	[tilespmem:$0x1F780] =	vst v63  }
0x2b: {  	_ =	swait.ge [sflag:s16], $0x2800  }
0x2c: {  	[sflag:s16] =	ssyncset.done $0x0  }
0x2d: {  	s31 =	simm.s32 $0x16800;
	[sflag:s16] =	ssyncadd.s32 $0xFFFFD800  }
0x2e: {  	[spmem:s2] =	stream.indirect.scatter.add.f32 [tilespmem:s19], [sflag:$0x4], $0x80, s31, s17, $0xb8;
	[tilespmem:$0x1F780] =	vst v63  }
0x2f: {  	s25 =	simm.s32 $0x400;
	_ =	swait.ge [sflag:s20], $0x2800  }
0x30: {  	s26 =	simm.s32 $0x800;
	s24 =	simm.s32 $0x14140;
	[sflag:s20] =	ssyncset.done $0x0  }
.LBB2_2:
0x31: {  	p0 =	sne.s32 s26, $0xF400;
	s28 =	sadd.s32 $0xFFFFFFB0, s24;
	[sflag:s20] =	ssyncadd.s32 $0xFFFFD800  }
0x32: {  	[tilespmem:s19], [sflag:$0x2] =	stream.indirect.gather [hbm4b:s4+s17], $0x80, s28, s17, $0xb8;
	[tilespmem:$0x1F780] =	vst v63  }
0x33: {  	s28 =	smov.u32 s26;
	s26 =	sadd.s32 $0x400, s26;
	_ =	swait.ge [sflag:s15], $0x2800  }
0x34: {  	s29 =	sshra.s32 s25, $0x2;
	s25 =	smov.u32 s28;
	[sflag:s15] =	ssyncset.done $0x0  }
0x35: {  	s28 =	sadd.s32 $0x16780, s29;
	[sflag:s15] =	ssyncadd.s32 $0xFFFFD800  }
0x36: {  	[spmem:s2] =	stream.indirect.scatter.add.f32 [tilespmem:s18], [sflag:$0x4], $0x80, s28, s17, $0xb8;
	[tilespmem:$0x1F780] =	vst v63  }
0x37: {  	_ =	swait.ge [sflag:s20], $0x2800  }
0x38: {  	[sflag:s20] =	ssyncset.done $0x0  }
0x39: {  	[sflag:s20] =	ssyncadd.s32 $0xFFFFD800  }
0x3a: {  	[tilespmem:s18], [sflag:$0x1] =	stream.indirect.gather [hbm4b:s4+s17], $0x80, s24, s17, $0xb8;
	[tilespmem:$0x1F780] =	vst v63  }
0x3b: {  	_ =	swait.ge [sflag:s16], $0x2800  }
.Ltmp0:
0x3c: {  	[sflag:s16] =	ssyncset.done $0x0;
	(pc) =	sbr.rel @p0 .LBB2_2-.Ltmp0, $4  }
0x3d: {  	s28 =	sadd.s32 $0x16800, s29;
	[sflag:s16] =	ssyncadd.s32 $0xFFFFD800  }
0x3e: {  	[spmem:s2] =	stream.indirect.scatter.add.f32 [tilespmem:s19], [sflag:$0x4], $0x80, s28, s17, $0xb8;
	[tilespmem:$0x1F780] =	vst v63  }
0x3f: {  	_ =	swait.ge [sflag:s20], $0x2800  }
0x40: {  	s24 =	sadd.s32 $0xA0, s24;
	[sflag:s20] =	ssyncset.done $0x0  }
0x41: {  	s26 =	sadd.s32 $0xFFFFFFB0, s24;
	[sflag:s20] =	ssyncadd.s32 $0xFFFFD800  }
0x42: {  	[tilespmem:s19], [sflag:$0x2] =	stream.indirect.gather [hbm4b:s4+s17], $0x80, s26, s17, $0xb8;
	[tilespmem:$0x1F780] =	vst v63  }
0x43: {  	_ =	swait.ge [sflag:s15], $0x2800  }
0x44: {  	s25 =	sshra.s32 s25, $0x2;
	[sflag:s15] =	ssyncset.done $0x0  }
0x45: {  	s30 =	sadd.s32 $0x16780, s25;
	[sflag:s15] =	ssyncadd.s32 $0xFFFFD800  }
0x46: {  	[spmem:s2] =	stream.indirect.scatter.add.f32 [tilespmem:s18], [sflag:$0x4], $0x80, s30, s17, $0xb8;
	[tilespmem:$0x1F780] =	vst v63  }
0x47: {  	_ =	swait.ge [sflag:s20], $0x2800  }
0x48: {  	[sflag:s20] =	ssyncset.done $0x0  }
0x49: {  	[sflag:s20] =	ssyncadd.s32 $0xFFFFD800  }
0x4a: {  	[tilespmem:s18], [sflag:$0x1] =	stream.indirect.gather [hbm4b:s4+s17], $0x80, s24, s17, $0xb8;
	[tilespmem:$0x1F780] =	vst v63  }
0x4b: {  	_ =	swait.ge [sflag:s16], $0x2800  }
0x4c: {  	[sflag:s16] =	ssyncset.done $0x0  }
0x4d: {  	s31 =	sadd.s32 $0x16800, s25;
	[sflag:s16] =	ssyncadd.s32 $0xFFFFD800  }
0x4e: {  	[spmem:s2] =	stream.indirect.scatter.add.f32 [tilespmem:s19], [sflag:$0x4], $0x80, s31, s17, $0xb8;
	[tilespmem:$0x1F780] =	vst v63  }
0x4f: {  	_ =	swait.ge [sflag:s20], $0x2800  }
0x50: {  	[sflag:s20] =	ssyncset.done $0x0  }
0x51: {  	[sflag:s20] =	ssyncadd.s32 $0xFFFFD800  }
0x52: {  	_ =	swait.ge [sflag:s15], $0x2800  }
0x53: {  	[sflag:s15] =	ssyncset.done $0x0  }
0x54: {  	[sflag:s15] =	ssyncadd.s32 $0xFFFFD800  }
0x55: {  	[spmem:s2] =	stream.indirect.scatter.add.f32 [tilespmem:s18], [sflag:$0x4], $0x80, s21, s17, $0xb8;
	[tilespmem:$0x1F780] =	vst v63  }
0x56: {  	_ =	swait.ge [sflag:s20], $0x2800  }
0x57: {  	s23 =	sadd.s32 $0x1, s23;
	[sflag:s20] =	ssyncset.done $0x0  }
0x58: {  	p0 =	sne.s32 s23, s10;
	[sflag:s20] =	ssyncadd.s32 $0xFFFFD800  }
.Ltmp1:
0x59: {  	[bflag:$0x0] =	sbarrier.arrive $0xFFFF;
	(pc) =	sbr.rel @p0 .LBB2_1-.Ltmp1, $4  }
0x5a: {  	[hbm:s9], [sflag:s22] =	dma.local [spmem:s11], $0x2800  }
0x5b: {  	_ =	swait.ge [sflag:s20], $0x2800  }
0x5c: {  	[sflag:s20] =	ssyncset.done $0x0  }
0x5d: {  	[sflag:s20] =	ssyncadd.s32 $0xFFFFD800  }
0x5e: {  	_ =	sfence.sel $0x180000  }
0x5f: {  	[bflag:$0x0] =	sbarrier.arrive $0xFFFF  }
0x60: {  	p0 =	sne.s32 s0, $0x0;
	_ =	strace $0x9000004A  }
0x61: {  	s0 =	sadd.s32 @!p0 $0x100000, s1;
	[bflag:$0x2] =	sbarrier.arrive $0xFFFF  }
0x62: {  	[sflag:s0] =	ssyncadd.tile.s32 @!p0 $0x1;
	_ =	shalt  }
.Lfunc_end2:
_tile_overlayer_lowered:
.L_overlay_start_2:
0x63: {  	(tag) =	ssettag $0x2  }
0x64: {  	s0 =	rddreg [dreg:$0x0];
	s2 =	stileid.u32  }
0x65: {  	s1 =	rddreg [dreg:$0x1];
	p0 =	sne.s32 s2, $0x0  }
0x66: {  	s3 =	rddreg [dreg:$0x2];
	[bflag:$0x3] =	sbarrier.arrive $0xFFFF;
	s2 =	simm.s32 @!p0 $0x1C04  }
0x67: {  	[timem:s3], [sflag:s2] =	dma.local @!p0 [hbm:s0], s1  }
0x68: {  	s0 =	simm.s32 @!p0 $0x4  }
0x69: {  	_ =	swait.ge @!p0 [sflag:s0], s1  }
0x6a: {  	s1 =	ssub.s32 @!p0 $0x0, s1;
	[sflag:s0] =	ssyncset.done @!p0 $0x0  }
0x6b: {  	[sflag:s0] =	ssyncadd.s32 @!p0 s1  }
0x6c: {  	[bflag:$0x3] =	sbarrier.arrive $0xFFFF  }
0x6d: {  	_ =	shalt  }

// kernel: kernel.14.cloned.1.call-start
scs
__scs_entry_jumppad:
0x0: {  	(pc) =	sbr.rel $0x88, $3  }
0x1: {  	(tag) =	ssettag $0x0;
	lr =	simm.s32 $0x1  }
0x2: {  	[smem:$0x3F98] =	sst lr;
	_ =	strace $0xD0000000  }
0x3: {  	_ = 	snop  }
0x4: {  	_ = 	snop  }
0x5: {  	_ = 	snop  }
0x6: {  	_ = 	snop  }
0x7: {  	_ = 	snop  }
__scs_overlays_trampoline_lowered:
0x8: {  	[smem:$0x3FA7] =	sst s0  }
0x9: {  	[smem:$0x3FA8] =	sst s1  }
0xa: {  	[smem:$0x3FA9] =	sst s2  }
0xb: {  	[smem:$0x3FAA] =	sst s3  }
0xc: {  	[smem:$0x3FAB] =	sst s4  }
0xd: {  	[smem:$0x3FAC] =	sst s5  }
0xe: {  	[smem:$0x3FAD] =	sst s6  }
0xf: {  	[smem:$0x3FAE] =	sst s7  }
0x10: {  	[smem:$0x3FAF] =	sst s8  }
0x11: {  	[smem:$0x3FB0] =	sst s9;
	s0 =	simm.s32 @!p0 $0x0  }
0x12: {  	s1 =	sld [smem:$0x3F96];
	s0 =	simm.s32 @p0 $0x1  }
0x13: {  	[smem:$0x3FB1] =	sst s0;
	s0 =	simm.s32 @!p1 $0x0  }
0x14: {  	s2 =	sld [smem:$0x3F95];
	s0 =	simm.s32 @p1 $0x1  }
0x15: {  	[smem:$0x3FB2] =	sst s0;
	s0 =	simm.s32 @!p2 $0x0  }
0x16: {  	s3 =	sld [smem:$0x3FDB];
	s0 =	simm.s32 @p2 $0x1  }
0x17: {  	s4 =	simm.s32 $0x1BF5;
	[smem:$0x3FB4] =	sst s0  }
0x18: {  	s0 =	sld [smem:$0x3F97];
	_ =	swait.ge [sflag:s4], $0x0  }
0x19: {  	s7 =	sld [smem:$0x3F98]  }
0x1a: {  	s8 =	sadd.s32 $0xFFFFE003, lr  }
0x1b: {  	s9 =	sadd.s32 $0xFFFFFEF7, lr;
	s5 =	simm.s32 $0xFFFFFFFF;
	p2 =	slt.u32 s8, $0xFFFFF086  }
0x1c: {  	p1 =	slt.u32 s9, $0xF7A;
	s5 =	simm.s32 @!p2 $0x0  }
0x1d: {  	s5 =	simm.s32 @p1 $0x1;
	p0 =	seq.s32 s7, s2  }
0x1e: {  	s7 =	smul.u32 @!p0 $0xF7A, s2;
	p2 =	seq.s32 @!p0 s5, $0x0  }
0x1f: {  	s9 =	smul.u32 $0xF7A, s1;
	s8 =	simm.s32 @!p0 $0x1BF5;
	p2 =	por !p2, p0  }
0x20: {  	[sflag:s8] =	ssyncset.s32 @!p0 $0xFFFFF086;
	s6 =	sadd.s32 @!p0 s3, s7;
	s7 =	simm.s32 @!p0 $0x108  }
0x21: {  	s3 =	sadd.s32 s3, s9;
	s6 =	sadd.s32 @!p0 $0x88, s6;
	s7 =	simm.s32 @p2 $0x1082  }
0x22: {  	[simem:s7], [sflag:s8] =	dma.local @!p0 [hbm:s6], $0xF7A  }
0x23: {  	s9 =	sor.u32 $0xD0000000, s2;
	s6 =	simm.s32 $0x108;
	_ =	swait.ge @!p0 [sflag:s8], $0x0  }
0x24: {  	s3 =	sadd.s32 $0x88, s3;
	s6 =	simm.s32 @!p1 $0x1082;
	[sflag:s4] =	ssyncset.s32 $0xFFFFF086  }
0x25: {  	[simem:s6], [sflag:s4] =	dma.local [hbm:s3], $0xF7A  }
0x26: {  	[smem:$0x3F98] =	sst s1;
	(tag) =	ssettag s2;
	_ =	strace s9  }
0x27: {  	s1 =	sld [smem:$0x3FA8]  }
0x28: {  	s2 =	sld [smem:$0x3FA9]  }
0x29: {  	s4 =	sld [smem:$0x3FAB]  }
0x2a: {  	p0 =	seq.s32 s5, $0x0;
	s5 =	sld [smem:$0x3FAC]  }
0x2b: {  	s6 =	sld [smem:$0x3FAD]  }
0x2c: {  	s7 =	sld [smem:$0x3FAE]  }
0x2d: {  	s3 =	simm.s32 $0x108;
	s8 =	sld [smem:$0x3FAF]  }
0x2e: {  	s3 =	simm.s32 @!p0 $0x1082;
	s9 =	sld [smem:$0x3FB0]  }
0x2f: {  	lr =	sadd.s32 s0, s3;
	s0 =	sld [smem:$0x3FA7]  }
0x30: {  	s3 =	sld [smem:$0x3FAA]  }
0x31: {  	[smem:$0x3FB3] =	sst s10  }
0x32: {  	s10 =	sld [smem:$0x3FB1];
	_ =	sdelay $0x3  }
0x33: {  	p0 =	seq.s32 s10, $0x1;
	s10 =	sld [smem:$0x3FB3];
	_ =	sdelay $0x3  }
0x34: {  	[smem:$0x3FB3] =	sst s10  }
0x35: {  	s10 =	sld [smem:$0x3FB2];
	_ =	sdelay $0x3  }
0x36: {  	p1 =	seq.s32 s10, $0x1;
	s10 =	sld [smem:$0x3FB3];
	_ =	sdelay $0x3  }
0x37: {  	[smem:$0x3FB3] =	sst s10  }
0x38: {  	s10 =	sld [smem:$0x3FB4]  }
0x39: {  	_ = 	snop;
	(pc) =	sbr.ind lr, $3  }
0x3a: {  	_ = 	snop  }
0x3b: {  	_ = 	snop  }
0x3c: {  	p2 =	seq.s32 s10, $0x1;
	s10 =	sld [smem:$0x3FB3]  }
0x3d: {  	_ =	shalt  }
0x3e: {  	_ =	shalt  }
0x3f: {  	_ =	shalt  }
0x40: {  	_ =	shalt  }
0x41: {  	_ =	shalt  }
0x42: {  	_ =	shalt  }
0x43: {  	_ =	shalt  }
0x44: {  	_ =	shalt  }
0x45: {  	_ =	shalt  }
0x46: {  	_ =	shalt  }
0x47: {  	_ =	shalt  }
0x48: {  	_ =	shalt  }
0x49: {  	_ =	shalt  }
0x4a: {  	_ =	shalt  }
0x4b: {  	_ =	shalt  }
0x4c: {  	_ =	shalt  }
0x4d: {  	_ =	shalt  }
0x4e: {  	_ =	shalt  }
0x4f: {  	_ =	shalt  }
0x50: {  	_ =	shalt  }
0x51: {  	_ =	shalt  }
0x52: {  	_ =	shalt  }
0x53: {  	_ =	shalt  }
0x54: {  	_ =	shalt  }
0x55: {  	_ =	shalt  }
0x56: {  	_ =	shalt  }
0x57: {  	_ =	shalt  }
0x58: {  	_ =	shalt  }
0x59: {  	_ =	shalt  }
0x5a: {  	_ =	shalt  }
0x5b: {  	_ =	shalt  }
0x5c: {  	_ =	shalt  }
0x5d: {  	_ =	shalt  }
0x5e: {  	_ =	shalt  }
0x5f: {  	_ =	shalt  }
0x60: {  	_ =	shalt  }
0x61: {  	_ =	shalt  }
0x62: {  	_ =	shalt  }
0x63: {  	_ =	shalt  }
0x64: {  	_ =	shalt  }
0x65: {  	_ =	shalt  }
0x66: {  	_ =	shalt  }
0x67: {  	_ =	shalt  }
0x68: {  	_ =	shalt  }
0x69: {  	_ =	shalt  }
0x6a: {  	_ =	shalt  }
0x6b: {  	_ =	shalt  }
0x6c: {  	_ =	shalt  }
0x6d: {  	_ =	shalt  }
0x6e: {  	_ =	shalt  }
0x6f: {  	_ =	shalt  }
0x70: {  	_ =	shalt  }
0x71: {  	_ =	shalt  }
0x72: {  	_ =	shalt  }
0x73: {  	_ =	shalt  }
0x74: {  	_ =	shalt  }
0x75: {  	_ =	shalt  }
0x76: {  	_ =	shalt  }
0x77: {  	_ =	shalt  }
0x78: {  	_ =	shalt  }
0x79: {  	_ =	shalt  }
0x7a: {  	_ =	shalt  }
0x7b: {  	_ =	shalt  }
0x7c: {  	_ =	shalt  }
0x7d: {  	_ =	shalt  }
0x7e: {  	_ =	shalt  }
0x7f: {  	_ =	shalt  }
0x80: {  	_ =	shalt  }
0x81: {  	_ =	shalt  }
0x82: {  	_ =	shalt  }
0x83: {  	_ =	shalt  }
0x84: {  	_ =	shalt  }
0x85: {  	_ =	shalt  }
0x86: {  	_ =	shalt  }
0x87: {  	_ =	shalt  }
.Lfunc_end0:
.L_simem_size_0:
called_computation.2_lowered:
.L_overlay_start_0:
0x88: {  	s2 =	sld [smem:$0x3FD9]  }
0x89: {  	s3 =	sld [smem:$0x3FFE];
	_ =	sdelay $0x1  }
0x8a: {  	s1 =	srdreg.scid  }
0x8b: {  	s0 =	sand.u32 $0x1, s1  }
0x8c: {  	s16 =	sshll.u32 s0, $0xA;
	s2 =	sadd.s32 s3, s2  }
0x8d: {  	s2 =	sadd.s32 s2, s16  }
0x8e: {  	[smem:$0x3FBF] =	sst s2  }
0x8f: {  	_ = 	snop  }
0x90: {  	(tm) =	ssettm $0x1  }
0x91: {  	s17 =	sld [smem:$0x3FFB];
	_ =	sdelay $0x3  }
0x92: {  	_ =	strace s17  }
0x93: {  	s2 =	sld [smem:$0x3FFC];
	_ =	sdelay $0x3  }
0x94: {  	_ =	strace s2  }
0x95: {  	s2 =	sld [smem:$0x3FFD];
	_ =	sdelay $0x3  }
0x96: {  	_ =	strace s2  }
0x97: {  	_ =	strace $0x8FFFFFFF  }
0x98: {  	s18 =	sld [smem:$0x3FDB];
	_ =	sdelay $0x1  }
0x99: {  	s19 =	simm.s32 $_scs_section_size  }
0x9a: {  	s4 =	simm.s32 $_size__tile_overlayer_lowered;
	s5 =	simm.s32 $_tile_overlayer_lowered  }
0x9b: {  	s22 =	simm.s32 $0x1BFF;
	s21 =	sshll.u32 s5, $0x1;
	s2 =	sadd.s32 s19, s18  }
0x9c: {  	s6 =	simm.s32 $0x0;
	s20 =	sshll.u32 s4, $0x1;
	s4 =	sadd.s32 s21, s2  }
0x9d: {  	[timem:s6], [sflag:s22] =	dma.local [hbm:s4], s20  }
0x9e: {  	_ =	swait.ge [sflag:s22], s20  }
0x9f: {  	s3 =	ssub.s32 $0x0, s20;
	[sflag:s22] =	ssyncset.done $0x0  }
0xa0: {  	[sflag:s22] =	ssyncadd.s32 s3;
	_ =	sdelay $0x1  }
0xa1: {  	s23 =	simm.s32 $0x1B8B  }
0xa2: {  	_ =	swait.ge [sflag:s23], $0x1  }
0xa3: {  	[sflag:s23] =	ssyncset.done $0x0  }
0xa4: {  	s25 =	simm.s32 $0x1B8E;
	s24 =	sld [smem:$0x3FFE];
	[sflag:s23] =	ssyncadd.s32 $0xFFFFFFFF  }
0xa5: {  	s26 =	simm.s32 $execute0_lowered;
	[smem:$0x3FD2] =	sst s25  }
0xa6: {  	s4 =	sshll.u32 s26, $0x1;
	_ =	strace $0x8000004C;
	[dreg:$0x1] =	wrdreg $0xFFFFFFFF  }
0xa7: {  	s28 =	simm.s32 $_size_execute0_lowered;
	s2 =	sadd.s32 s2, s4;
	[dreg:$0x0] =	wrdreg $0x0  }
0xa8: {  	s4 =	sshll.u32 s28, $0x1;
	[dreg:$0x2] =	wrdreg s2  }
0xa9: {  	[dreg:$0x3] =	wrdreg s4  }
0xaa: {  	[dreg:$0x4] =	wrdreg $0xC0  }
0xab: {  	_ =	task [dreg:s6], $0x5FFFF  }
0xac: {  	[dreg:$0x1] =	wrdreg $0xFFFFFFFF  }
0xad: {  	[dreg:$0x0] =	wrdreg $0x60  }
0xae: {  	[dreg:$0x2] =	wrdreg s24  }
0xaf: {  	[dreg:$0x3] =	wrdreg $0x0  }
0xb0: {  	[dreg:$0x4] =	wrdreg $0x9  }
0xb1: {  	_ =	task.clear_ibuf [dreg:s6], $0x5FFFF;
	_ =	strace $0x9000004C  }
0xb2: {  	s29 =	simm.s32 $0x9;
	_ =	strace $0x8000004E  }
0xb3: {  	_ =	swait.ge [sflag:s29], $0x1  }
0xb4: {  	[sflag:s29] =	ssyncadd.s32 $0xFFFFFFFF  }
0xb5: {  	_ =	strace $0x9000004E  }
0xb6: {  	_ =	sfence  }
0xb7: {  	s30 =	sld [smem:$0x0];
	_ =	sdelay $0x2  }
0xb8: {  	s31 =	sshll.u32 s1, $0xD;
	s1 =	sshrl.u32 s1, $0x2  }
0xb9: {  	s3 =	sand.u32 $0x4000, s31;
	s1 =	sadd.s32 s1, s30  }
0xba: {  	s0 =	sor.u32 s3, s0;
	s1 =	sshll.u32 s1, $0x11  }
0xbb: {  	s0 =	sor.u32 s1, s0  }
0xbc: {  	s0 =	sadd.s32 $0x8F2B, s0  }
0xbd: {  	[sflag:s0] =	ssyncadd.remote.s32 $0x1  }
0xbe: {  	_ =	sfence.sel $0xFFFF  }
0xbf: {  	[dreg:$0x0] =	wrdreg $0xFFFFFFFF;
	(pc) =	sbr.abs _section_cstart, $3  }
0xc0: {  	[dreg:$0x1] =	wrdreg $0xFFFFFFFF  }
0xc1: {  	_ =	task.clear_ibuf [dreg:s6], $0x2FFFF;
	_ =	strace $0x9FFFFFFF  }
0xc2: {  	(tm) =	ssettm $0x7FFFFFFF  }
0xc3: {  	_ =	shalt  }
tec
execute0_lowered:
.L_overlay_start_1:
0x0: {  	(tag) =	ssettag $0x1  }
0x1: {  	s6 =	rddreg [dreg:$0x0]  }
0x2: {  	s0 =	srdreg.scid;
	s2 =	rddreg [dreg:$0x1]  }
0x3: {  	s3 =	simm.s32 $0x0;
	s14 =	simm.s32 $0x3;
	s15 =	simm.s32 $0x1  }
0x4: {  	s16 =	simm.s32 $0x2;
	s17 =	simm.s32 $0x50;
	s18 =	simm.s32 $0x1A780  }
0x5: {  	s19 =	simm.s32 $0x1CF80;
	s20 =	simm.s32 $0x4;
	s21 =	simm.s32 $0x1A580  }
0x6: {  	s23 =	simm.s32 $0x0;
	s5 =	sand.u32 $0x1, s0;
	s0 =	stileid.u32  }
0x7: {  	[smem:$0x7FF] =	sst s3;
	s4 =	sadd.s32 $0x30600, s6;
	s9 =	smul.u32 $0x14000, s0  }
0x8: {  	s1 =	sshll.u32 s5, $0x4;
	s10 =	smul.u32 $0x140000, s5;
	s5 =	ssub.s32 $0x2, s5  }
0x9: {  	s11 =	smul.u32 $0x50000, s0;
	s22 =	sshll.u32 s0, $0x6;
	s7 =	sor.u32 s0, s1  }
0xa: {  	s1 =	rddreg [dreg:$0x2];
	_ =	strace $0x8000004D;
	s29 =	sshrl.u32 s5, $0x1  }
0xb: {  	s8 =	smul.u32 $0x4E2, s7;
	s7 =	sshll.u32 s7, $0xB;
	s10 =	sadd.s32 s9, s10  }
0xc: {  	s13 =	ssub.s32 s5, s29;
	s30 =	sshrl.u32 s11, $0x2;
	s31 =	sshrl.u32 s9, $0x3  }
0xd: {  	s10 =	sshrl.u32 s10, $0x3;
	s12 =	sadd.s32 s7, s6;
	s11 =	sadd.s32 s30, s2  }
0xe: {  	s5 =	sadd.s32 s4, s31;
	s8 =	sadd.s32 s8, s6;
	s10 =	sadd.s32 s10, s6  }
0xf: {  	s6 =	sor.u32 $0x1C03, s22;
	s11 =	sshrl.u32 s11, $0x3;
	s22 =	sor.u32 $0x1C04, s22  }
0x10: {  	s7 =	sadd.s32 $0xC800, s8;
	s8 =	sadd.s32 $0x20600, s12;
	s9 =	sadd.s32 $0x58600, s10  }
0x11: {  	s10 =	smax.u32 s13, $0x1;
	s12 =	simm.s32 $0x14000;
	s13 =	simm.s32 $0x16780  }
.LBB2_1:
0x12: {  	[spmem:s11], [sflag:s6] =	dma.local [hbm:s5], $0x2800  }
0x13: {  	[tilespmem:s12], [sflag:$0x1] =	stream.linear.gather [hbm4b:s7+s3], $0x2710, $0x38;
	[tilespmem:$0x1F780] =	vst v63  }
0x14: {  	_ = 	snop  }
0x15: {  	[tilespmem:s13], [sflag:$0x2] =	stream.linear.gather [hbm4b:s8+s3], $0x3E80, $0x38;
	[tilespmem:$0x1F780] =	vst v63  }
0x16: {  	_ =	swait.ge [sflag:s14], $0x2800  }
0x17: {  	[sflag:s14] =	ssyncset.done $0x0  }
0x18: {  	[sflag:s14] =	ssyncadd.s32 $0xFFFFD800  }
0x19: {  	_ =	swait.ge [sflag:s15], $0x2710  }
0x1a: {  	[sflag:s15] =	ssyncset.done $0x0  }
0x1b: {  	[sflag:s15] =	ssyncadd.s32 $0xFFFFD8F0  }
0x1c: {  	_ =	swait.ge [sflag:s16], $0x3E80  }
0x1d: {  	[sflag:s16] =	ssyncset.done $0x0  }
0x1e: {  	[sflag:s16] =	ssyncadd.s32 $0xFFFFC180  }
0x1f: {  	[bflag:$0x0] =	sbarrier.arrive $0xFFFF  }
0x20: {  	[tilespmem:s18], [sflag:$0x1] =	stream.indirect.gather [hbm4b:s4+s17], $0x80, s12, s17, $0xb8;
	[tilespmem:$0x1F780] =	vst v63  }
0x21: {  	s24 =	simm.s32 $0x14050  }
0x22: {  	[tilespmem:s19], [sflag:$0x2] =	stream.indirect.gather [hbm4b:s4+s17], $0x80, s24, s17, $0xb8;
	[tilespmem:$0x1F780] =	vst v63  }
0x23: {  	_ =	swait.ge [sflag:s15], $0x2800  }
0x24: {  	[sflag:s15] =	ssyncset.done $0x0  }
0x25: {  	s29 =	simm.s32 $0x16780;
	[sflag:s15] =	ssyncadd.s32 $0xFFFFD800  }
0x26: {  	[spmem:s2] =	stream.indirect.scatter.add.f32 [tilespmem:s18], [sflag:$0x4], $0x80, s29, s17, $0xb8;
	[tilespmem:$0x1F780] =	vst v63  }
0x27: {  	_ =	swait.ge [sflag:s20], $0x2800  }
0x28: {  	[sflag:s20] =	ssyncset.done $0x0  }
0x29: {  	s30 =	simm.s32 $0x140A0;
	[sflag:s20] =	ssyncadd.s32 $0xFFFFD800  }
0x2a: {  	[tilespmem:s18], [sflag:$0x1] =	stream.indirect.gather [hbm4b:s4+s17], $0x80, s30, s17, $0xb8;
	[tilespmem:$0x1F780] =	vst v63  }
0x2b: {  	_ =	swait.ge [sflag:s16], $0x2800  }
0x2c: {  	[sflag:s16] =	ssyncset.done $0x0  }
0x2d: {  	s31 =	simm.s32 $0x16800;
	[sflag:s16] =	ssyncadd.s32 $0xFFFFD800  }
0x2e: {  	[spmem:s2] =	stream.indirect.scatter.add.f32 [tilespmem:s19], [sflag:$0x4], $0x80, s31, s17, $0xb8;
	[tilespmem:$0x1F780] =	vst v63  }
0x2f: {  	s25 =	simm.s32 $0x400;
	_ =	swait.ge [sflag:s20], $0x2800  }
0x30: {  	s26 =	simm.s32 $0x800;
	s24 =	simm.s32 $0x14140;
	[sflag:s20] =	ssyncset.done $0x0  }
.LBB2_2:
0x31: {  	p0 =	sne.s32 s26, $0xF400;
	s28 =	sadd.s32 $0xFFFFFFB0, s24;
	[sflag:s20] =	ssyncadd.s32 $0xFFFFD800  }
0x32: {  	[tilespmem:s19], [sflag:$0x2] =	stream.indirect.gather [hbm4b:s4+s17], $0x80, s28, s17, $0xb8;
	[tilespmem:$0x1F780] =	vst v63  }
0x33: {  	s28 =	smov.u32 s26;
	s26 =	sadd.s32 $0x400, s26;
	_ =	swait.ge [sflag:s15], $0x2800  }
0x34: {  	s29 =	sshra.s32 s25, $0x2;
	s25 =	smov.u32 s28;
	[sflag:s15] =	ssyncset.done $0x0  }
0x35: {  	s28 =	sadd.s32 $0x16780, s29;
	[sflag:s15] =	ssyncadd.s32 $0xFFFFD800  }
0x36: {  	[spmem:s2] =	stream.indirect.scatter.add.f32 [tilespmem:s18], [sflag:$0x4], $0x80, s28, s17, $0xb8;
	[tilespmem:$0x1F780] =	vst v63  }
0x37: {  	_ =	swait.ge [sflag:s20], $0x2800  }
0x38: {  	[sflag:s20] =	ssyncset.done $0x0  }
0x39: {  	[sflag:s20] =	ssyncadd.s32 $0xFFFFD800  }
0x3a: {  	[tilespmem:s18], [sflag:$0x1] =	stream.indirect.gather [hbm4b:s4+s17], $0x80, s24, s17, $0xb8;
	[tilespmem:$0x1F780] =	vst v63  }
0x3b: {  	_ =	swait.ge [sflag:s16], $0x2800  }
.Ltmp0:
0x3c: {  	[sflag:s16] =	ssyncset.done $0x0;
	(pc) =	sbr.rel @p0 .LBB2_2-.Ltmp0, $4  }
0x3d: {  	s28 =	sadd.s32 $0x16800, s29;
	[sflag:s16] =	ssyncadd.s32 $0xFFFFD800  }
0x3e: {  	[spmem:s2] =	stream.indirect.scatter.add.f32 [tilespmem:s19], [sflag:$0x4], $0x80, s28, s17, $0xb8;
	[tilespmem:$0x1F780] =	vst v63  }
0x3f: {  	_ =	swait.ge [sflag:s20], $0x2800  }
0x40: {  	s24 =	sadd.s32 $0xA0, s24;
	[sflag:s20] =	ssyncset.done $0x0  }
0x41: {  	s26 =	sadd.s32 $0xFFFFFFB0, s24;
	[sflag:s20] =	ssyncadd.s32 $0xFFFFD800  }
0x42: {  	[tilespmem:s19], [sflag:$0x2] =	stream.indirect.gather [hbm4b:s4+s17], $0x80, s26, s17, $0xb8;
	[tilespmem:$0x1F780] =	vst v63  }
0x43: {  	_ =	swait.ge [sflag:s15], $0x2800  }
0x44: {  	s25 =	sshra.s32 s25, $0x2;
	[sflag:s15] =	ssyncset.done $0x0  }
0x45: {  	s30 =	sadd.s32 $0x16780, s25;
	[sflag:s15] =	ssyncadd.s32 $0xFFFFD800  }
0x46: {  	[spmem:s2] =	stream.indirect.scatter.add.f32 [tilespmem:s18], [sflag:$0x4], $0x80, s30, s17, $0xb8;
	[tilespmem:$0x1F780] =	vst v63  }
0x47: {  	_ =	swait.ge [sflag:s20], $0x2800  }
0x48: {  	[sflag:s20] =	ssyncset.done $0x0  }
0x49: {  	[sflag:s20] =	ssyncadd.s32 $0xFFFFD800  }
0x4a: {  	[tilespmem:s18], [sflag:$0x1] =	stream.indirect.gather [hbm4b:s4+s17], $0x80, s24, s17, $0xb8;
	[tilespmem:$0x1F780] =	vst v63  }
0x4b: {  	_ =	swait.ge [sflag:s16], $0x2800  }
0x4c: {  	[sflag:s16] =	ssyncset.done $0x0  }
0x4d: {  	s31 =	sadd.s32 $0x16800, s25;
	[sflag:s16] =	ssyncadd.s32 $0xFFFFD800  }
0x4e: {  	[spmem:s2] =	stream.indirect.scatter.add.f32 [tilespmem:s19], [sflag:$0x4], $0x80, s31, s17, $0xb8;
	[tilespmem:$0x1F780] =	vst v63  }
0x4f: {  	_ =	swait.ge [sflag:s20], $0x2800  }
0x50: {  	[sflag:s20] =	ssyncset.done $0x0  }
0x51: {  	[sflag:s20] =	ssyncadd.s32 $0xFFFFD800  }
0x52: {  	_ =	swait.ge [sflag:s15], $0x2800  }
0x53: {  	[sflag:s15] =	ssyncset.done $0x0  }
0x54: {  	[sflag:s15] =	ssyncadd.s32 $0xFFFFD800  }
0x55: {  	[spmem:s2] =	stream.indirect.scatter.add.f32 [tilespmem:s18], [sflag:$0x4], $0x80, s21, s17, $0xb8;
	[tilespmem:$0x1F780] =	vst v63  }
0x56: {  	_ =	swait.ge [sflag:s20], $0x2800  }
0x57: {  	s23 =	sadd.s32 $0x1, s23;
	[sflag:s20] =	ssyncset.done $0x0  }
0x58: {  	p0 =	sne.s32 s23, s10;
	[sflag:s20] =	ssyncadd.s32 $0xFFFFD800  }
.Ltmp1:
0x59: {  	[bflag:$0x0] =	sbarrier.arrive $0xFFFF;
	(pc) =	sbr.rel @p0 .LBB2_1-.Ltmp1, $4  }
0x5a: {  	[hbm:s9], [sflag:s22] =	dma.local [spmem:s11], $0x2800  }
0x5b: {  	_ =	swait.ge [sflag:s20], $0x2800  }
0x5c: {  	[sflag:s20] =	ssyncset.done $0x0  }
0x5d: {  	[sflag:s20] =	ssyncadd.s32 $0xFFFFD800  }
0x5e: {  	_ =	sfence.sel $0x180000  }
0x5f: {  	[bflag:$0x0] =	sbarrier.arrive $0xFFFF  }
0x60: {  	p0 =	sne.s32 s0, $0x0;
	_ =	strace $0x9000004D  }
0x61: {  	s0 =	sadd.s32 @!p0 $0x100000, s1;
	[bflag:$0x2] =	sbarrier.arrive $0xFFFF  }
0x62: {  	[sflag:s0] =	ssyncadd.tile.s32 @!p0 $0x1;
	_ =	shalt  }
.Lfunc_end2:
_tile_overlayer_lowered:
.L_overlay_start_2:
0x63: {  	(tag) =	ssettag $0x2  }
0x64: {  	s0 =	rddreg [dreg:$0x0];
	s2 =	stileid.u32  }
0x65: {  	s1 =	rddreg [dreg:$0x1];
	p0 =	sne.s32 s2, $0x0  }
0x66: {  	s3 =	rddreg [dreg:$0x2];
	[bflag:$0x3] =	sbarrier.arrive $0xFFFF;
	s2 =	simm.s32 @!p0 $0x1C04  }
0x67: {  	[timem:s3], [sflag:s2] =	dma.local @!p0 [hbm:s0], s1  }
0x68: {  	s0 =	simm.s32 @!p0 $0x4  }
0x69: {  	_ =	swait.ge @!p0 [sflag:s0], s1  }
0x6a: {  	s1 =	ssub.s32 @!p0 $0x0, s1;
	[sflag:s0] =	ssyncset.done @!p0 $0x0  }
0x6b: {  	[sflag:s0] =	ssyncadd.s32 @!p0 s1  }
0x6c: {  	[bflag:$0x3] =	sbarrier.arrive $0xFFFF  }
0x6d: {  	_ =	shalt  }

// kernel: kernel.8.cloned.1.call-start
scs
__scs_entry_jumppad:
0x0: {  	(pc) =	sbr.rel $0x88, $3  }
0x1: {  	(tag) =	ssettag $0x0;
	lr =	simm.s32 $0x1  }
0x2: {  	[smem:$0x3F98] =	sst lr;
	_ =	strace $0xD0000000  }
0x3: {  	_ = 	snop  }
0x4: {  	_ = 	snop  }
0x5: {  	_ = 	snop  }
0x6: {  	_ = 	snop  }
0x7: {  	_ = 	snop  }
__scs_overlays_trampoline_lowered:
0x8: {  	[smem:$0x3FA7] =	sst s0  }
0x9: {  	[smem:$0x3FA8] =	sst s1  }
0xa: {  	[smem:$0x3FA9] =	sst s2  }
0xb: {  	[smem:$0x3FAA] =	sst s3  }
0xc: {  	[smem:$0x3FAB] =	sst s4  }
0xd: {  	[smem:$0x3FAC] =	sst s5  }
0xe: {  	[smem:$0x3FAD] =	sst s6  }
0xf: {  	[smem:$0x3FAE] =	sst s7  }
0x10: {  	[smem:$0x3FAF] =	sst s8  }
0x11: {  	[smem:$0x3FB0] =	sst s9;
	s0 =	simm.s32 @!p0 $0x0  }
0x12: {  	s1 =	sld [smem:$0x3F96];
	s0 =	simm.s32 @p0 $0x1  }
0x13: {  	[smem:$0x3FB1] =	sst s0;
	s0 =	simm.s32 @!p1 $0x0  }
0x14: {  	s2 =	sld [smem:$0x3F95];
	s0 =	simm.s32 @p1 $0x1  }
0x15: {  	[smem:$0x3FB2] =	sst s0;
	s0 =	simm.s32 @!p2 $0x0  }
0x16: {  	s3 =	sld [smem:$0x3FDB];
	s0 =	simm.s32 @p2 $0x1  }
0x17: {  	s4 =	simm.s32 $0x1BF5;
	[smem:$0x3FB4] =	sst s0  }
0x18: {  	s0 =	sld [smem:$0x3F97];
	_ =	swait.ge [sflag:s4], $0x0  }
0x19: {  	s7 =	sld [smem:$0x3F98]  }
0x1a: {  	s8 =	sadd.s32 $0xFFFFE003, lr  }
0x1b: {  	s9 =	sadd.s32 $0xFFFFFEF7, lr;
	s5 =	simm.s32 $0xFFFFFFFF;
	p2 =	slt.u32 s8, $0xFFFFF086  }
0x1c: {  	p1 =	slt.u32 s9, $0xF7A;
	s5 =	simm.s32 @!p2 $0x0  }
0x1d: {  	s5 =	simm.s32 @p1 $0x1;
	p0 =	seq.s32 s7, s2  }
0x1e: {  	s7 =	smul.u32 @!p0 $0xF7A, s2;
	p2 =	seq.s32 @!p0 s5, $0x0  }
0x1f: {  	s9 =	smul.u32 $0xF7A, s1;
	s8 =	simm.s32 @!p0 $0x1BF5;
	p2 =	por !p2, p0  }
0x20: {  	[sflag:s8] =	ssyncset.s32 @!p0 $0xFFFFF086;
	s6 =	sadd.s32 @!p0 s3, s7;
	s7 =	simm.s32 @!p0 $0x108  }
0x21: {  	s3 =	sadd.s32 s3, s9;
	s6 =	sadd.s32 @!p0 $0x88, s6;
	s7 =	simm.s32 @p2 $0x1082  }
0x22: {  	[simem:s7], [sflag:s8] =	dma.local @!p0 [hbm:s6], $0xF7A  }
0x23: {  	s9 =	sor.u32 $0xD0000000, s2;
	s6 =	simm.s32 $0x108;
	_ =	swait.ge @!p0 [sflag:s8], $0x0  }
0x24: {  	s3 =	sadd.s32 $0x88, s3;
	s6 =	simm.s32 @!p1 $0x1082;
	[sflag:s4] =	ssyncset.s32 $0xFFFFF086  }
0x25: {  	[simem:s6], [sflag:s4] =	dma.local [hbm:s3], $0xF7A  }
0x26: {  	[smem:$0x3F98] =	sst s1;
	(tag) =	ssettag s2;
	_ =	strace s9  }
0x27: {  	s1 =	sld [smem:$0x3FA8]  }
0x28: {  	s2 =	sld [smem:$0x3FA9]  }
0x29: {  	s4 =	sld [smem:$0x3FAB]  }
0x2a: {  	p0 =	seq.s32 s5, $0x0;
	s5 =	sld [smem:$0x3FAC]  }
0x2b: {  	s6 =	sld [smem:$0x3FAD]  }
0x2c: {  	s7 =	sld [smem:$0x3FAE]  }
0x2d: {  	s3 =	simm.s32 $0x108;
	s8 =	sld [smem:$0x3FAF]  }
0x2e: {  	s3 =	simm.s32 @!p0 $0x1082;
	s9 =	sld [smem:$0x3FB0]  }
0x2f: {  	lr =	sadd.s32 s0, s3;
	s0 =	sld [smem:$0x3FA7]  }
0x30: {  	s3 =	sld [smem:$0x3FAA]  }
0x31: {  	[smem:$0x3FB3] =	sst s10  }
0x32: {  	s10 =	sld [smem:$0x3FB1];
	_ =	sdelay $0x3  }
0x33: {  	p0 =	seq.s32 s10, $0x1;
	s10 =	sld [smem:$0x3FB3];
	_ =	sdelay $0x3  }
0x34: {  	[smem:$0x3FB3] =	sst s10  }
0x35: {  	s10 =	sld [smem:$0x3FB2];
	_ =	sdelay $0x3  }
0x36: {  	p1 =	seq.s32 s10, $0x1;
	s10 =	sld [smem:$0x3FB3];
	_ =	sdelay $0x3  }
0x37: {  	[smem:$0x3FB3] =	sst s10  }
0x38: {  	s10 =	sld [smem:$0x3FB4]  }
0x39: {  	_ = 	snop;
	(pc) =	sbr.ind lr, $3  }
0x3a: {  	_ = 	snop  }
0x3b: {  	_ = 	snop  }
0x3c: {  	p2 =	seq.s32 s10, $0x1;
	s10 =	sld [smem:$0x3FB3]  }
0x3d: {  	_ =	shalt  }
0x3e: {  	_ =	shalt  }
0x3f: {  	_ =	shalt  }
0x40: {  	_ =	shalt  }
0x41: {  	_ =	shalt  }
0x42: {  	_ =	shalt  }
0x43: {  	_ =	shalt  }
0x44: {  	_ =	shalt  }
0x45: {  	_ =	shalt  }
0x46: {  	_ =	shalt  }
0x47: {  	_ =	shalt  }
0x48: {  	_ =	shalt  }
0x49: {  	_ =	shalt  }
0x4a: {  	_ =	shalt  }
0x4b: {  	_ =	shalt  }
0x4c: {  	_ =	shalt  }
0x4d: {  	_ =	shalt  }
0x4e: {  	_ =	shalt  }
0x4f: {  	_ =	shalt  }
0x50: {  	_ =	shalt  }
0x51: {  	_ =	shalt  }
0x52: {  	_ =	shalt  }
0x53: {  	_ =	shalt  }
0x54: {  	_ =	shalt  }
0x55: {  	_ =	shalt  }
0x56: {  	_ =	shalt  }
0x57: {  	_ =	shalt  }
0x58: {  	_ =	shalt  }
0x59: {  	_ =	shalt  }
0x5a: {  	_ =	shalt  }
0x5b: {  	_ =	shalt  }
0x5c: {  	_ =	shalt  }
0x5d: {  	_ =	shalt  }
0x5e: {  	_ =	shalt  }
0x5f: {  	_ =	shalt  }
0x60: {  	_ =	shalt  }
0x61: {  	_ =	shalt  }
0x62: {  	_ =	shalt  }
0x63: {  	_ =	shalt  }
0x64: {  	_ =	shalt  }
0x65: {  	_ =	shalt  }
0x66: {  	_ =	shalt  }
0x67: {  	_ =	shalt  }
0x68: {  	_ =	shalt  }
0x69: {  	_ =	shalt  }
0x6a: {  	_ =	shalt  }
0x6b: {  	_ =	shalt  }
0x6c: {  	_ =	shalt  }
0x6d: {  	_ =	shalt  }
0x6e: {  	_ =	shalt  }
0x6f: {  	_ =	shalt  }
0x70: {  	_ =	shalt  }
0x71: {  	_ =	shalt  }
0x72: {  	_ =	shalt  }
0x73: {  	_ =	shalt  }
0x74: {  	_ =	shalt  }
0x75: {  	_ =	shalt  }
0x76: {  	_ =	shalt  }
0x77: {  	_ =	shalt  }
0x78: {  	_ =	shalt  }
0x79: {  	_ =	shalt  }
0x7a: {  	_ =	shalt  }
0x7b: {  	_ =	shalt  }
0x7c: {  	_ =	shalt  }
0x7d: {  	_ =	shalt  }
0x7e: {  	_ =	shalt  }
0x7f: {  	_ =	shalt  }
0x80: {  	_ =	shalt  }
0x81: {  	_ =	shalt  }
0x82: {  	_ =	shalt  }
0x83: {  	_ =	shalt  }
0x84: {  	_ =	shalt  }
0x85: {  	_ =	shalt  }
0x86: {  	_ =	shalt  }
0x87: {  	_ =	shalt  }
.Lfunc_end0:
.L_simem_size_0:
called_computation_lowered:
.L_overlay_start_0:
0x88: {  	s2 =	sld [smem:$0x3FD9]  }
0x89: {  	s3 =	sld [smem:$0x3FFE];
	_ =	sdelay $0x1  }
0x8a: {  	s1 =	srdreg.scid  }
0x8b: {  	s0 =	sand.u32 $0x1, s1  }
0x8c: {  	s16 =	sshll.u32 s0, $0xA;
	s2 =	sadd.s32 s3, s2  }
0x8d: {  	s2 =	sadd.s32 s2, s16  }
0x8e: {  	[smem:$0x3FBF] =	sst s2  }
0x8f: {  	_ = 	snop  }
0x90: {  	(tm) =	ssettm $0x1  }
0x91: {  	s17 =	sld [smem:$0x3FFB];
	_ =	sdelay $0x3  }
0x92: {  	_ =	strace s17  }
0x93: {  	s2 =	sld [smem:$0x3FFC];
	_ =	sdelay $0x3  }
0x94: {  	_ =	strace s2  }
0x95: {  	s2 =	sld [smem:$0x3FFD];
	_ =	sdelay $0x3  }
0x96: {  	_ =	strace s2  }
0x97: {  	_ =	strace $0x8FFFFFFF  }
0x98: {  	s18 =	sld [smem:$0x3FDB];
	_ =	sdelay $0x1  }
0x99: {  	s19 =	simm.s32 $_scs_section_size  }
0x9a: {  	s4 =	simm.s32 $_size__tile_overlayer_lowered;
	s5 =	simm.s32 $_tile_overlayer_lowered  }
0x9b: {  	s22 =	simm.s32 $0x1BFF;
	s21 =	sshll.u32 s5, $0x1;
	s2 =	sadd.s32 s19, s18  }
0x9c: {  	s6 =	simm.s32 $0x0;
	s20 =	sshll.u32 s4, $0x1;
	s4 =	sadd.s32 s21, s2  }
0x9d: {  	[timem:s6], [sflag:s22] =	dma.local [hbm:s4], s20  }
0x9e: {  	_ =	swait.ge [sflag:s22], s20  }
0x9f: {  	s3 =	ssub.s32 $0x0, s20;
	[sflag:s22] =	ssyncset.done $0x0  }
0xa0: {  	[sflag:s22] =	ssyncadd.s32 s3;
	_ =	sdelay $0x1  }
0xa1: {  	s23 =	simm.s32 $0x1B8B  }
0xa2: {  	_ =	swait.ge [sflag:s23], $0x1  }
0xa3: {  	[sflag:s23] =	ssyncset.done $0x0  }
0xa4: {  	s25 =	simm.s32 $0x1B8E;
	s24 =	sld [smem:$0x3FFE];
	[sflag:s23] =	ssyncadd.s32 $0xFFFFFFFF  }
0xa5: {  	s26 =	simm.s32 $execute0_lowered;
	[smem:$0x3FD2] =	sst s25  }
0xa6: {  	s4 =	sshll.u32 s26, $0x1;
	_ =	strace $0x80000046;
	[dreg:$0x1] =	wrdreg $0xFFFFFFFF  }
0xa7: {  	s28 =	simm.s32 $_size_execute0_lowered;
	s2 =	sadd.s32 s2, s4;
	[dreg:$0x0] =	wrdreg $0x0  }
0xa8: {  	s4 =	sshll.u32 s28, $0x1;
	[dreg:$0x2] =	wrdreg s2  }
0xa9: {  	[dreg:$0x3] =	wrdreg s4  }
0xaa: {  	[dreg:$0x4] =	wrdreg $0xC0  }
0xab: {  	_ =	task [dreg:s6], $0x5FFFF  }
0xac: {  	[dreg:$0x1] =	wrdreg $0xFFFFFFFF  }
0xad: {  	[dreg:$0x0] =	wrdreg $0x60  }
0xae: {  	[dreg:$0x2] =	wrdreg s24  }
0xaf: {  	[dreg:$0x3] =	wrdreg $0x9  }
0xb0: {  	_ =	task.clear_ibuf [dreg:s6], $0x4FFFF;
	_ =	strace $0x90000046  }
0xb1: {  	s29 =	simm.s32 $0x9;
	_ =	strace $0x80000048  }
0xb2: {  	_ =	swait.ge [sflag:s29], $0x1  }
0xb3: {  	[sflag:s29] =	ssyncadd.s32 $0xFFFFFFFF  }
0xb4: {  	_ =	strace $0x90000048  }
0xb5: {  	_ =	sfence  }
0xb6: {  	s30 =	sld [smem:$0x0];
	_ =	sdelay $0x2  }
0xb7: {  	s31 =	sshll.u32 s1, $0xD;
	s1 =	sshrl.u32 s1, $0x2  }
0xb8: {  	s3 =	sand.u32 $0x4000, s31;
	s1 =	sadd.s32 s1, s30  }
0xb9: {  	s0 =	sor.u32 s3, s0;
	s1 =	sshll.u32 s1, $0x11  }
0xba: {  	s0 =	sor.u32 s1, s0  }
0xbb: {  	s0 =	sadd.s32 $0x8F2B, s0  }
0xbc: {  	[sflag:s0] =	ssyncadd.remote.s32 $0x1  }
0xbd: {  	_ =	sfence.sel $0xFFFF  }
0xbe: {  	[dreg:$0x0] =	wrdreg $0xFFFFFFFF;
	(pc) =	sbr.abs _section_cstart, $3  }
0xbf: {  	[dreg:$0x1] =	wrdreg $0xFFFFFFFF  }
0xc0: {  	_ =	task.clear_ibuf [dreg:s6], $0x2FFFF;
	_ =	strace $0x9FFFFFFF  }
0xc1: {  	(tm) =	ssettm $0x7FFFFFFF  }
tec
execute0_lowered:
.L_overlay_start_1:
0x0: {  	(tag) =	ssettag $0x1  }
0x1: {  	s0 =	srdreg.scid  }
0x2: {  	s5 =	rddreg [dreg:$0x0];
	s3 =	sand.u32 $0x1, s0  }
0x3: {  	s2 =	simm.s32 $0x0;
	s0 =	stileid.u32;
	s1 =	sshll.u32 s3, $0x4  }
0x4: {  	s8 =	simm.s32 $0x80;
	s9 =	simm.s32 $0x400;
	s4 =	sor.u32 s0, s1  }
0x5: {  	s10 =	simm.s32 $0x0;
	[smem:$0x7FF] =	sst s2;
	s1 =	sshrl.u32 s4, $0x3  }
0x6: {  	s7 =	sshll.u32 s0, $0x7;
	s3 =	ssub.s32 $0x2, s3;
	s6 =	smul.u32 $0x14000, s1  }
0x7: {  	s7 =	sand.u32 $0x380, s7;
	s31 =	sshrl.u32 s3, $0x1;
	s4 =	smul.u32 $0x4E2, s4  }
0x8: {  	s1 =	rddreg [dreg:$0x1];
	_ =	strace $0x80000047;
	s6 =	sor.u32 s7, s6  }
0x9: {  	s4 =	sadd.s32 s4, s5;
	s7 =	simm.s32 $0x1;
	s6 =	sshrl.u32 s6, $0x3  }
0xa: {  	s5 =	sadd.s32 s6, s5;
	s6 =	ssub.s32 s3, s31;
	s3 =	sadd.s32 $0x2A00, s4  }
0xb: {  	v0 =	vimm.f32 $0.0e+00;
	v1 =	vimm.f32 $1.000000000e+00;
	s4 =	sadd.s32 $0x16600, s5;
	s5 =	smax.u32 s6, $0x1;
	s6 =	simm.s32 $0x2800  }
.LBB2_1:
0xc: {  	s11 =	simm.s32 $0x40;
	s12 =	simm.s32 $0x0  }
.LBB2_2:
0xd: {  	p0 =	sne.s32 s11, $0x9FC0;
	[tilespmem:s12+$0x0] =	vst v0;
	s12 =	smov.u32 s11;
	s11 =	sadd.s32 $0x40, s11  }
.Ltmp0:
0xe: {  	(pc) =	sbr.rel @p0 .LBB2_2-.Ltmp0, $2  }
0xf: {  	_ =	sdelay $0x2  }
0x10: {  	s12 =	sshra.s32 s12, $0x2  }
0x11: {  	[tilespmem:s12+$0x0] =	vst v0;
	s11 =	simm.s32 $0x0  }
0x12: {  	[tilespmem:s6], [sflag:$0x1] =	stream.linear.gather [hbm4b:s3+s11], $0x2710, $0x38;
	[tilespmem:$0x4F80] =	vst v63  }
0x13: {  	_ =	swait.ge [sflag:s7], $0x2710  }
0x14: {  	[sflag:s7] =	ssyncset.done $0x0  }
0x15: {  	s12 =	simm.s32 $0x0;
	s11 =	simm.s32 $0x40;
	[sflag:s7] =	ssyncadd.s32 $0xFFFFD8F0  }
.LBB2_4:
0x16: {  	p0 =	sne.s32 s11, $0x9C00;
	v2 =	vld [tilespmem:s12+$0x2800];
	_ =	sdelay $0x3  }
.Ltmp1:
0x17: {  	(pc) =	sbr.rel @p0 .LBB2_4-.Ltmp1, $2  }
0x18: {  	_ =	sdelay $0x2  }
0x19: {  	s12 =	sshra.s32 s11, $0x2;
	s11 =	sadd.s32 $0x40, s11;
	[tilespmem:v2+s2+$0x0] =	vst.idx.add.f32.msk $0xffff, v1  }
0x1a: {  	v2 =	vld [tilespmem:s12+$0x2800];
	_ =	sdelay $0x5  }
0x1b: {  	s10 =	sadd.s32 $0x1, s10  }
0x1c: {  	p0 =	sne.s32 s10, s5  }
.Ltmp2:
0x1d: {  	[tilespmem:v2+s2+$0x0] =	vst.idx.add.f32.msk $0xffff, v1;
	(pc) =	sbr.rel @p0 .LBB2_1-.Ltmp2, $4  }
0x1e: {  	[hbm4b:s4+s8] =	stream.strided.scatter [tilespmem:s2], [sflag:$0x1], $0x2800, s9, s8, $0x38;
	[tilespmem:$0x4F80] =	vst v63  }
0x1f: {  	_ =	swait.ge [sflag:s7], $0x2800  }
0x20: {  	[sflag:s7] =	ssyncset.done $0x0  }
0x21: {  	[sflag:s7] =	ssyncadd.s32 $0xFFFFD800  }
0x22: {  	_ =	sfence.sel $0x180000  }
0x23: {  	[bflag:$0x0] =	sbarrier.arrive $0xFFFF  }
0x24: {  	p0 =	sne.s32 s0, $0x0;
	_ =	strace $0x90000047  }
0x25: {  	s0 =	sadd.s32 @!p0 $0x100000, s1;
	[bflag:$0x2] =	sbarrier.arrive $0xFFFF  }
0x26: {  	[sflag:s0] =	ssyncadd.tile.s32 @!p0 $0x1;
	_ =	shalt  }
.Lfunc_end2:
_tile_overlayer_lowered:
.L_overlay_start_2:
0x27: {  	(tag) =	ssettag $0x2  }
0x28: {  	s0 =	rddreg [dreg:$0x0];
	s2 =	stileid.u32  }
0x29: {  	s1 =	rddreg [dreg:$0x1];
	p0 =	sne.s32 s2, $0x0  }
0x2a: {  	s3 =	rddreg [dreg:$0x2];
	[bflag:$0x3] =	sbarrier.arrive $0xFFFF;
	s2 =	simm.s32 @!p0 $0x1C01  }
0x2b: {  	[timem:s3], [sflag:s2] =	dma.local @!p0 [hbm:s0], s1  }
0x2c: {  	s0 =	simm.s32 @!p0 $0x1  }
0x2d: {  	_ =	swait.ge @!p0 [sflag:s0], s1  }
0x2e: {  	s1 =	ssub.s32 @!p0 $0x0, s1;
	[sflag:s0] =	ssyncset.done @!p0 $0x0  }
0x2f: {  	[sflag:s0] =	ssyncadd.s32 @!p0 s1  }
0x30: {  	[bflag:$0x3] =	sbarrier.arrive $0xFFFF  }
0x31: {  	_ =	shalt  }

</sc_bundles>
